<compile_context>
chip_gen: v7x
topology: tpu7x:2x2x1
jax: 0.10.2.dev20260603
libtpu: 0.0.44.dev20260713+nightly
codegen_flags: <defaults>
</compile_context>

<pallas_src>
import functools

import jax
import jax.numpy as jnp
from jax import lax
from jax.experimental import pallas as pl
from jax.experimental.pallas import tpu as pltpu
from jax.experimental.pallas import tpu_sc as plsc

N = 10000
E = 320000
D = 128
NC = 2
NS = 16
NW = NC * NS
EPT = E // NW
CH = 80
NCH = EPT // CH
SLAB = 632
LAST = N - (NS - 1) * SLAB
NB = 3
N_DEG = 10240

_MESH = plsc.VectorSubcoreMesh(core_axis_name="c", subcore_axis_name="s")



@functools.partial(
    pl.kernel,
    mesh=_MESH,
    out_type=jax.ShapeDtypeStruct((NW, N_DEG), jnp.float32),
    scratch_types=[
        pltpu.VMEM((EPT,), jnp.int32),
        pltpu.VMEM((N_DEG,), jnp.float32),
    ],
    compiler_params=pltpu.CompilerParams(needs_layout_passes=False),
)
def _deg_sc(col_hbm, out_hbm, col_v, deg_v):
    cid = lax.axis_index("c")
    sid = lax.axis_index("s")
    w = cid * NS + sid
    pltpu.sync_copy(col_hbm.at[pl.ds(w * EPT, EPT)], col_v)

    zero16 = jnp.zeros((16,), jnp.float32)

    def zbody(i, _):
        deg_v[pl.ds(i * 16, 16)] = zero16
        return 0

    lax.fori_loop(0, N_DEG // 16, zbody, 0)

    ones16 = jnp.ones((16,), jnp.float32)

    def body(j, _):
        idx = col_v[pl.ds(j * 16, 16)]
        plsc.addupdate_scatter(deg_v, [idx], ones16)
        return 0

    lax.fori_loop(0, EPT // 16, body, 0)
    pltpu.sync_copy(deg_v, out_hbm.at[w])



@functools.partial(
    pl.kernel,
    mesh=_MESH,
    out_type=jax.ShapeDtypeStruct((NC, N, D), jnp.float32),
    scratch_types=[
        pltpu.VMEM((EPT,), jnp.int32),
        [pltpu.VMEM((CH,), jnp.int32) for _ in range(NB)],
        [pltpu.VMEM((CH, D), jnp.float32) for _ in range(NB)],
        pltpu.VMEM_SHARED((N, D), jnp.float32),
        [pltpu.SemaphoreType.DMA for _ in range(NB)],
        [pltpu.SemaphoreType.DMA for _ in range(NB)],
        [pltpu.SemaphoreType.DMA for _ in range(NB)],
    ],
    compiler_params=pltpu.CompilerParams(needs_layout_passes=False),
)
def _agg_sc(h_hbm, row_hbm, col_hbm, zer_hbm, out_hbm,
            row_v, cchs, gbufs, shared, gsems, ssems, isems):
    cid = lax.axis_index("c")
    sid = lax.axis_index("s")
    w = cid * NS + sid
    base = w * EPT
    pltpu.sync_copy(row_hbm.at[pl.ds(base, EPT)], row_v)

    @pl.when(sid < NS - 1)
    def _():
        pltpu.sync_copy(zer_hbm, shared.at[pl.ds(sid * SLAB, SLAB)])

    @pl.when(sid == NS - 1)
    def _():
        pltpu.sync_copy(zer_hbm.at[pl.ds(0, LAST)],
                        shared.at[pl.ds((NS - 1) * SLAB, LAST)])

    plsc.subcore_barrier()

    def issue_gather(j, k):
        pltpu.async_copy(h_hbm.at[row_v.at[pl.ds(j * CH, CH)]],
                         gbufs[k], gsems[k])

    def wait_gather(k):
        pltpu.make_async_copy(h_hbm.at[row_v.at[pl.ds(0, CH)]],
                              gbufs[k], gsems[k]).wait()

    def issue_cidx(j, k):
        pltpu.async_copy(col_hbm.at[pl.ds(base + j * CH, CH)],
                         cchs[k], isems[k])

    def wait_cidx(k):
        pltpu.make_async_copy(col_hbm.at[pl.ds(base, CH)],
                              cchs[k], isems[k]).wait()

    def issue_scatter(k):
        pltpu.async_copy(gbufs[k], shared.at[cchs[k]], ssems[k], add=True)

    def wait_scatter(k):
        pltpu.make_async_copy(gbufs[k], shared.at[cchs[k]], ssems[k]).wait()

    issue_gather(0, 0)
    issue_cidx(0, 0)
    issue_gather(1, 1)
    issue_cidx(1, 1)
    wait_gather(0)
    wait_cidx(0)
    issue_scatter(0)
    issue_gather(2, 2)
    issue_cidx(2, 2)

    def body(g, _):
        j0 = g * NB
        for (k, off) in ((1, 1), (2, 2), (0, 3)):
            j = j0 + off
            wait_gather(k)
            wait_cidx(k)
            issue_scatter(k)
            kprev = (k + NB - 1) % NB
            wait_scatter(kprev)
            issue_gather(j + 2, kprev)
            issue_cidx(j + 2, kprev)
        return 0

    lax.fori_loop(0, (NCH - 5) // NB, body, 0)
    wait_gather(1)
    wait_cidx(1)
    issue_scatter(1)
    wait_scatter(0)
    issue_gather(123, 0)
    issue_cidx(123, 0)
    wait_gather(2)
    wait_cidx(2)
    issue_scatter(2)
    wait_scatter(1)
    issue_gather(124, 1)
    issue_cidx(124, 1)
    wait_gather(0)
    wait_cidx(0)
    issue_scatter(0)
    wait_scatter(2)
    wait_gather(1)
    wait_cidx(1)
    issue_scatter(1)
    wait_scatter(0)
    wait_scatter(1)

    plsc.subcore_barrier()

    @pl.when(sid < NS - 1)
    def _():
        pltpu.sync_copy(shared.at[pl.ds(sid * SLAB, SLAB)],
                        out_hbm.at[cid, pl.ds(sid * SLAB, SLAB)])

    @pl.when(sid == NS - 1)
    def _():
        pltpu.sync_copy(shared.at[pl.ds((NS - 1) * SLAB, LAST)],
                        out_hbm.at[cid, pl.ds((NS - 1) * SLAB, LAST)])



_GRID = 2
_BM = N // _GRID


def _dense1(x_ref, w1_ref, degt_ref, h1s_ref, dis1_ref, dis2_ref):
    h1 = jnp.dot(x_ref[...], w1_ref[...], preferred_element_type=jnp.float32)
    indeg = jnp.sum(degt_ref[...], axis=1, keepdims=True)
    dis1 = lax.rsqrt(indeg + 3.0)
    dis2 = lax.rsqrt(indeg + 2.0)
    h1s_ref[...] = h1 * dis1
    dis1_ref[...] = dis1
    dis2_ref[...] = dis2


def _dense2(agg_ref, h1s_ref, dis1_ref, dis2_ref, b1_ref, g_ref, bb_ref,
            w2_ref, h2s_ref):
    a = agg_ref[0] + agg_ref[1]
    d1 = dis1_ref[...]
    out1 = d1 * a + 3.0 * d1 * h1s_ref[...] + b1_ref[...]
    mu = jnp.mean(out1, axis=1, keepdims=True)
    cz = out1 - mu
    var = jnp.mean(cz * cz, axis=1, keepdims=True)
    z = cz * lax.rsqrt(var + 1e-5) * g_ref[...] + bb_ref[...]
    z = jnp.maximum(z, 0.0)
    h2 = jnp.dot(z, w2_ref[...], preferred_element_type=jnp.float32)
    h2s_ref[...] = dis2_ref[...] * h2


def _dense3(agg_ref, h2s_ref, dis2_ref, b2_ref, x_ref, o_ref):
    a = agg_ref[0] + agg_ref[1]
    d2 = dis2_ref[...]
    o_ref[...] = d2 * a + 2.0 * d2 * h2s_ref[...] + b2_ref[...] + x_ref[...]


def _row_spec(minor):
    return pl.BlockSpec((_BM, minor), lambda i: (i, 0))


def _full_spec(shape):
    nd = len(shape)
    return pl.BlockSpec(shape, lambda i: (0,) * nd)


_dense1_call = pl.pallas_call(
    _dense1,
    grid=(_GRID,),
    in_specs=[_row_spec(D), _full_spec((D, D)), _row_spec(32)],
    out_specs=[_row_spec(D), _row_spec(1), _row_spec(1)],
    out_shape=[
        jax.ShapeDtypeStruct((N, D), jnp.float32),
        jax.ShapeDtypeStruct((N, 1), jnp.float32),
        jax.ShapeDtypeStruct((N, 1), jnp.float32),
    ],
)

_agg_spec = pl.BlockSpec((NC, _BM, D), lambda i: (0, i, 0))

_dense2_call = pl.pallas_call(
    _dense2,
    grid=(_GRID,),
    in_specs=[_agg_spec, _row_spec(D), _row_spec(1), _row_spec(1),
              _full_spec((1, D)), _full_spec((1, D)), _full_spec((1, D)),
              _full_spec((D, D))],
    out_specs=_row_spec(D),
    out_shape=jax.ShapeDtypeStruct((N, D), jnp.float32),
)

_dense3_call = pl.pallas_call(
    _dense3,
    grid=(_GRID,),
    in_specs=[_agg_spec, _row_spec(D), _row_spec(1), _full_spec((1, D)),
              _row_spec(D)],
    out_specs=_row_spec(D),
    out_shape=jax.ShapeDtypeStruct((N, D), jnp.float32),
)


def kernel(x, edge_index, W1, b1, ln_g, ln_b, W2, b2):
    row = edge_index[0]
    col = edge_index[1]

    degp = _deg_sc(col)
    degt = degp[:, :N].T

    h1s, dis1, dis2 = _dense1_call(x, W1, degt)

    zer = jnp.zeros((SLAB, D), jnp.float32)
    agg1 = _agg_sc(h1s, row, col, zer)
    h2s = _dense2_call(agg1, h1s, dis1, dis2,
                       b1.reshape(1, D), ln_g.reshape(1, D),
                       ln_b.reshape(1, D), W2)
    agg2 = _agg_sc(h2s, row, col, zer)
    out = _dense3_call(agg2, h2s, dis2, b2.reshape(1, D), x)
    return out

# --- scband reference (transcript-rebuilt; emitter-appended) ---
"""Pipeline reference for scband-superpoint-gcn-7146825581106 (READ-ONLY COPY).

The authoritative reference and input builder live on the scoring server;
editing this copy changes nothing except your own understanding.
"""

import jax, jax.numpy as jnp
import numpy as np

N = 10000
E = 320000
D = 128


def setup_inputs(seed: int = 0) -> dict:
    key = jax.random.key(seed)
    ks = jax.random.split(key, 4)
    x = jax.random.normal(ks[0], (N, D), dtype=jnp.float32)
    edge_index = jax.random.randint(ks[1], (2, E), 0, N, dtype=jnp.int32)
    W1 = jax.random.normal(ks[2], (D, D), dtype=jnp.float32) * (1.0 / np.sqrt(D))
    b1 = jnp.zeros((D,), jnp.float32)
    ln_g = jnp.ones((D,), jnp.float32)
    ln_b = jnp.zeros((D,), jnp.float32)
    W2 = jax.random.normal(ks[3], (D, D), dtype=jnp.float32) * (1.0 / np.sqrt(D))
    b2 = jnp.zeros((D,), jnp.float32)
    return {"x": x, "edge_index": edge_index, "W1": W1, "b1": b1,
            "ln_g": ln_g, "ln_b": ln_b, "W2": W2, "b2": b2}


def _gcn_conv(x, row, col, ew, W, b, improved):
    # Faithful to PyG GCNConv gcn_norm: adds self loops (fill=2.0 if improved)
    n = x.shape[0]
    fill = 2.0 if improved else 1.0
    loop = jnp.arange(n, dtype=row.dtype)
    r = jnp.concatenate([row, loop])
    c = jnp.concatenate([col, loop])
    w = jnp.concatenate([ew, jnp.full((n,), fill, dtype=ew.dtype)])
    deg = jnp.zeros((n,), x.dtype).at[c].add(w)
    dis = jnp.where(deg > 0, jax.lax.rsqrt(jnp.where(deg > 0, deg, 1.0)), 0.0)
    norm = dis[r] * w * dis[c]
    h = x @ W  # lin (bias=False in PyG GCNConv)
    out = jnp.zeros_like(h).at[c].add(norm[:, None] * h[r])
    return out + b


def _layernorm(x, g, b):
    mu = jnp.mean(x, axis=-1, keepdims=True)
    var = jnp.mean((x - mu) ** 2, axis=-1, keepdims=True)
    return (x - mu) * jax.lax.rsqrt(var + 1e-5) * g + b


def reference(x, edge_index, W1, b1, ln_g, ln_b, W2, b2):
    # edge_attr is None -> add_self_loops externally with weight 1.0
    n = x.shape[0]
    loop = jnp.arange(n, dtype=edge_index.dtype)
    row = jnp.concatenate([edge_index[0], loop])
    col = jnp.concatenate([edge_index[1], loop])
    ew = jnp.ones((row.shape[0],), x.dtype)
    residual = x
    h = _gcn_conv(x, row, col, ew, W1, b1, True)   # conv0, improved=True
    h = _layernorm(h, ln_g, ln_b)
    h = jax.nn.relu(h)
    h = _gcn_conv(h, row, col, ew, W2, b2, False)  # last conv, default improved=False
    h = h + residual
    return h

if __name__ == "__main__":
    import jax
    _d = setup_inputs()
    print(jax.jit(kernel)(*tuple(_d.values())))

</pallas_src>

<mosaic_0001>
#map = affine_map<(d0, d1) -> (0, 0)>
#map1 = affine_map<(d0, d1) -> (0)>
#map2 = affine_map<(d0, d1) -> (0, 0, 0)>
module attributes {stable_mosaic.version = 14 : i64} {
  func.func @_agg_sc(%arg0: i32, %arg1: i32, %arg2: memref<10000x128xf32, #tpu.memory_space<hbm>>, %arg3: memref<320000xi32, #tpu.memory_space<hbm>>, %arg4: memref<320000xi32, #tpu.memory_space<hbm>>, %arg5: memref<632x128xf32, #tpu.memory_space<hbm>>, %arg6: memref<2x10000x128xf32, #tpu.memory_space<hbm>>, %arg7: memref<10000xi32, #tpu.memory_space<vmem>>, %arg8: memref<80xi32, #tpu.memory_space<vmem>>, %arg9: memref<80xi32, #tpu.memory_space<vmem>>, %arg10: memref<80xi32, #tpu.memory_space<vmem>>, %arg11: memref<80x128xf32, #tpu.memory_space<vmem>>, %arg12: memref<80x128xf32, #tpu.memory_space<vmem>>, %arg13: memref<80x128xf32, #tpu.memory_space<vmem>>, %arg14: memref<10000x128xf32, #tpu.memory_space<vmem_shared>>, %arg15: memref<!tpu.dma_semaphore, #tpu.memory_space<semaphore_mem>>, %arg16: memref<!tpu.dma_semaphore, #tpu.memory_space<semaphore_mem>>, %arg17: memref<!tpu.dma_semaphore, #tpu.memory_space<semaphore_mem>>, %arg18: memref<!tpu.dma_semaphore, #tpu.memory_space<semaphore_mem>>, %arg19: memref<!tpu.dma_semaphore, #tpu.memory_space<semaphore_mem>>, %arg20: memref<!tpu.dma_semaphore, #tpu.memory_space<semaphore_mem>>, %arg21: memref<!tpu.dma_semaphore, #tpu.memory_space<semaphore_mem>>, %arg22: memref<!tpu.dma_semaphore, #tpu.memory_space<semaphore_mem>>, %arg23: memref<!tpu.dma_semaphore, #tpu.memory_space<semaphore_mem>>) attributes {dimension_semantics = [#tpu.dimension_semantics<core_parallel>, #tpu.dimension_semantics<subcore_parallel>], iteration_bounds = array<i64: 2, 16>, scalar_prefetch = 0 : i64, scratch_operands = 17 : i64, tpu.core_type = #tpu.core_type<sc_vector_subcore>, window_params = [{transform_indices = #map}, {transform_indices = #map1}, {transform_indices = #map1}, {transform_indices = #map}, {transform_indices = #map2}]} {
    %mul3A = arith.constant 16 : i32
    %mul3A_0 = arith.muli %arg0, %mul3A : i32
    %add3A = arith.addi %mul3A_0, %arg1 : i32
    %mul3A_1 = arith.constant 10000 : i32
    %mul3A_2 = arith.muli %add3A, %mul3A_1 : i32
    "tpu.region"() ({
      %run_scoped3A = tpu.sem_alloc : memref<!tpu.dma_semaphore, #tpu.memory_space<semaphore_mem>>
      %dma_start3A_134 = tpu.memref_slice %arg3[%mul3A_2] : memref<320000xi32, #tpu.memory_space<hbm>> -> memref<10000xi32, #tpu.memory_space<hbm>>
      %dma_start3A_135 = tpu.memref_slice %arg3[%mul3A_2] : memref<320000xi32, #tpu.memory_space<hbm>> -> memref<10000xi32, #tpu.memory_space<hbm>>
      tpu.enqueue_dma source(%dma_start3A_135 : memref<10000xi32, #tpu.memory_space<hbm>>) target(%arg7 : memref<10000xi32, #tpu.memory_space<vmem>>) target_semaphore(%run_scoped3A : memref<!tpu.dma_semaphore, #tpu.memory_space<semaphore_mem>>)
      %dma_wait3A_136 = tpu.memref_slice %arg3[%mul3A_2] : memref<320000xi32, #tpu.memory_space<hbm>> -> memref<10000xi32, #tpu.memory_space<hbm>>
      %dma_wait3A_137 = tpu.memref_slice %arg3[%mul3A_2] : memref<320000xi32, #tpu.memory_space<hbm>> -> memref<10000xi32, #tpu.memory_space<hbm>>
      tpu.wait_dma2 semaphore(%run_scoped3A : memref<!tpu.dma_semaphore, #tpu.memory_space<semaphore_mem>>) src(%dma_wait3A_137 : memref<10000xi32, #tpu.memory_space<hbm>>) dst(%arg7 : memref<10000xi32, #tpu.memory_space<vmem>>)
      tpu.yield
    }) : () -> ()
    %lt3A = arith.constant 15 : i32
    %lt3A_3 = arith.cmpi slt, %arg1, %lt3A : i32
    %convert_element_type3A = arith.extui %lt3A_3 : i1 to i32
    %cond3A = arith.constant 0 : i32
    %cond3A_4 = arith.cmpi ne, %convert_element_type3A, %cond3A : i32
    scf.if %cond3A_4 {
      %mul3A_134 = arith.constant 632 : i32
      %mul3A_135 = arith.muli %arg1, %mul3A_134 : i32
      "tpu.region"() ({
        %run_scoped3A = tpu.sem_alloc : memref<!tpu.dma_semaphore, #tpu.memory_space<semaphore_mem>>
        %dma_start3A_136 = arith.constant 0 : i32
        %dma_start3A_137 = tpu.memref_slice %arg14[%mul3A_135, %dma_start3A_136] : memref<10000x128xf32, #tpu.memory_space<vmem_shared>> -> memref<632x128xf32, #tpu.memory_space<vmem_shared>>
        tpu.enqueue_dma source(%arg5 : memref<632x128xf32, #tpu.memory_space<hbm>>) target(%dma_start3A_137 : memref<632x128xf32, #tpu.memory_space<vmem_shared>>) target_semaphore(%run_scoped3A : memref<!tpu.dma_semaphore, #tpu.memory_space<semaphore_mem>>)
        %dma_wait3A_138 = arith.constant 0 : i32
        %dma_wait3A_139 = tpu.memref_slice %arg14[%mul3A_135, %dma_wait3A_138] : memref<10000x128xf32, #tpu.memory_space<vmem_shared>> -> memref<632x128xf32, #tpu.memory_space<vmem_shared>>
        tpu.wait_dma2 semaphore(%run_scoped3A : memref<!tpu.dma_semaphore, #tpu.memory_space<semaphore_mem>>) src(%arg5 : memref<632x128xf32, #tpu.memory_space<hbm>>) dst(%dma_wait3A_139 : memref<632x128xf32, #tpu.memory_space<vmem_shared>>)
        tpu.yield
      }) : () -> ()
    } else {
    }
    %eq3A = arith.constant 15 : i32
    %eq3A_5 = arith.cmpi eq, %arg1, %eq3A : i32
    %convert_element_type3A_6 = arith.extui %eq3A_5 : i1 to i32
    %cond3A_7 = arith.constant 0 : i32
    %cond3A_8 = arith.cmpi ne, %convert_element_type3A_6, %cond3A_7 : i32
    scf.if %cond3A_8 {
      "tpu.region"() ({
        %run_scoped3A = tpu.sem_alloc : memref<!tpu.dma_semaphore, #tpu.memory_space<semaphore_mem>>
        %dma_start3A_134 = arith.constant 9480 : i32
        %dma_start3A_135 = arith.constant 0 : i32
        %dma_start3A_136 = tpu.memref_slice %arg14[%dma_start3A_134, %dma_start3A_135] : memref<10000x128xf32, #tpu.memory_space<vmem_shared>> -> memref<520x128xf32, #tpu.memory_space<vmem_shared>>
        %dma_start3A_137 = arith.constant 0 : i32
        %dma_start3A_138 = arith.constant 0 : i32
        %dma_start3A_139 = tpu.memref_slice %arg5[%dma_start3A_137, %dma_start3A_138] : memref<632x128xf32, #tpu.memory_space<hbm>> -> memref<520x128xf32, #tpu.memory_space<hbm>>
        tpu.enqueue_dma source(%dma_start3A_139 : memref<520x128xf32, #tpu.memory_space<hbm>>) target(%dma_start3A_136 : memref<520x128xf32, #tpu.memory_space<vmem_shared>>) target_semaphore(%run_scoped3A : memref<!tpu.dma_semaphore, #tpu.memory_space<semaphore_mem>>)
        %dma_wait3A_140 = arith.constant 9480 : i32
        %dma_wait3A_141 = arith.constant 0 : i32
        %dma_wait3A_142 = tpu.memref_slice %arg14[%dma_wait3A_140, %dma_wait3A_141] : memref<10000x128xf32, #tpu.memory_space<vmem_shared>> -> memref<520x128xf32, #tpu.memory_space<vmem_shared>>
        %dma_wait3A_143 = arith.constant 0 : i32
        %dma_wait3A_144 = arith.constant 0 : i32
        %dma_wait3A_145 = tpu.memref_slice %arg5[%dma_wait3A_143, %dma_wait3A_144] : memref<632x128xf32, #tpu.memory_space<hbm>> -> memref<520x128xf32, #tpu.memory_space<hbm>>
        tpu.wait_dma2 semaphore(%run_scoped3A : memref<!tpu.dma_semaphore, #tpu.memory_space<semaphore_mem>>) src(%dma_wait3A_145 : memref<520x128xf32, #tpu.memory_space<hbm>>) dst(%dma_wait3A_142 : memref<520x128xf32, #tpu.memory_space<vmem_shared>>)
        tpu.yield
      }) : () -> ()
    } else {
    }
    %barrier3A = arith.constant 0 : index
    tpu.barrier barrier_id(%barrier3A)
    %dma_start3A = arith.constant 0 : i32
    %dma_start3A_9 = tpu.memref_slice %arg7[%dma_start3A] : memref<10000xi32, #tpu.memory_space<vmem>> -> memref<80xi32, #tpu.memory_space<vmem>>
    %dma_start3A_10 = arith.constant 0 : i32
    %dma_start3A_11 = arith.constant 0 : i32
    %dma_start3A_12 = tpu.memref_slice %arg2[%dma_start3A_10, %dma_start3A_11] : memref<10000x128xf32, #tpu.memory_space<hbm>> -> memref<10000x128xf32, #tpu.memory_space<hbm>>
    tpu.enqueue_indirect_dma source(%dma_start3A_12 : memref<10000x128xf32, #tpu.memory_space<hbm>>) target(%arg11 : memref<80x128xf32, #tpu.memory_space<vmem>>) offsets(%dma_start3A_9 : memref<80xi32, #tpu.memory_space<vmem>>) semaphore(%arg15 : memref<!tpu.dma_semaphore, #tpu.memory_space<semaphore_mem>>)
    %add3A_13 = arith.constant 0 : i32
    %add3A_14 = arith.addi %mul3A_2, %add3A_13 : i32
    %dma_start3A_15 = tpu.memref_slice %arg4[%add3A_14] : memref<320000xi32, #tpu.memory_space<hbm>> -> memref<80xi32, #tpu.memory_space<hbm>>
    %dma_start3A_16 = tpu.memref_slice %arg4[%add3A_14] : memref<320000xi32, #tpu.memory_space<hbm>> -> memref<80xi32, #tpu.memory_space<hbm>>
    tpu.enqueue_dma source(%dma_start3A_16 : memref<80xi32, #tpu.memory_space<hbm>>) target(%arg8 : memref<80xi32, #tpu.memory_space<vmem>>) target_semaphore(%arg21 : memref<!tpu.dma_semaphore, #tpu.memory_space<semaphore_mem>>)
    %dma_start3A_17 = arith.constant 80 : i32
    %dma_start3A_18 = tpu.memref_slice %arg7[%dma_start3A_17] : memref<10000xi32, #tpu.memory_space<vmem>> -> memref<80xi32, #tpu.memory_space<vmem>>
    %dma_start3A_19 = arith.constant 0 : i32
    %dma_start3A_20 = arith.constant 0 : i32
    %dma_start3A_21 = tpu.memref_slice %arg2[%dma_start3A_19, %dma_start3A_20] : memref<10000x128xf32, #tpu.memory_space<hbm>> -> memref<10000x128xf32, #tpu.memory_space<hbm>>
    tpu.enqueue_indirect_dma source(%dma_start3A_21 : memref<10000x128xf32, #tpu.memory_space<hbm>>) target(%arg12 : memref<80x128xf32, #tpu.memory_space<vmem>>) offsets(%dma_start3A_18 : memref<80xi32, #tpu.memory_space<vmem>>) semaphore(%arg16 : memref<!tpu.dma_semaphore, #tpu.memory_space<semaphore_mem>>)
    %add3A_22 = arith.constant 80 : i32
    %add3A_23 = arith.addi %mul3A_2, %add3A_22 : i32
    %dma_start3A_24 = tpu.memref_slice %arg4[%add3A_23] : memref<320000xi32, #tpu.memory_space<hbm>> -> memref<80xi32, #tpu.memory_space<hbm>>
    %dma_start3A_25 = tpu.memref_slice %arg4[%add3A_23] : memref<320000xi32, #tpu.memory_space<hbm>> -> memref<80xi32, #tpu.memory_space<hbm>>
    tpu.enqueue_dma source(%dma_start3A_25 : memref<80xi32, #tpu.memory_space<hbm>>) target(%arg9 : memref<80xi32, #tpu.memory_space<vmem>>) target_semaphore(%arg22 : memref<!tpu.dma_semaphore, #tpu.memory_space<semaphore_mem>>)
    %dma_wait3A = arith.constant 0 : i32
    %dma_wait3A_26 = tpu.memref_slice %arg7[%dma_wait3A] : memref<10000xi32, #tpu.memory_space<vmem>> -> memref<80xi32, #tpu.memory_space<vmem>>
    %dma_wait3A_27 = arith.constant 0 : i32
    %dma_wait3A_28 = arith.constant 0 : i32
    %dma_wait3A_29 = tpu.memref_slice %arg2[%dma_wait3A_27, %dma_wait3A_28] : memref<10000x128xf32, #tpu.memory_space<hbm>> -> memref<10000x128xf32, #tpu.memory_space<hbm>>
    tpu.wait_indirect_dma semaphore(%arg15 : memref<!tpu.dma_semaphore, #tpu.memory_space<semaphore_mem>>) src(%dma_wait3A_29 : memref<10000x128xf32, #tpu.memory_space<hbm>>) dst(%arg11 : memref<80x128xf32, #tpu.memory_space<vmem>>)
    %dma_wait3A_30 = tpu.memref_slice %arg4[%mul3A_2] : memref<320000xi32, #tpu.memory_space<hbm>> -> memref<80xi32, #tpu.memory_space<hbm>>
    %dma_wait3A_31 = tpu.memref_slice %arg4[%mul3A_2] : memref<320000xi32, #tpu.memory_space<hbm>> -> memref<80xi32, #tpu.memory_space<hbm>>
    tpu.wait_dma2 semaphore(%arg21 : memref<!tpu.dma_semaphore, #tpu.memory_space<semaphore_mem>>) src(%dma_wait3A_31 : memref<80xi32, #tpu.memory_space<hbm>>) dst(%arg8 : memref<80xi32, #tpu.memory_space<vmem>>)
    %dma_start3A_32 = arith.constant 0 : i32
    %dma_start3A_33 = arith.constant 0 : i32
    %dma_start3A_34 = tpu.memref_slice %arg14[%dma_start3A_32, %dma_start3A_33] : memref<10000x128xf32, #tpu.memory_space<vmem_shared>> -> memref<10000x128xf32, #tpu.memory_space<vmem_shared>>
    tpu.enqueue_indirect_dma source(%arg11 : memref<80x128xf32, #tpu.memory_space<vmem>>) target(%dma_start3A_34 : memref<10000x128xf32, #tpu.memory_space<vmem_shared>>) offsets(%arg8 : memref<80xi32, #tpu.memory_space<vmem>>) semaphore(%arg18 : memref<!tpu.dma_semaphore, #tpu.memory_space<semaphore_mem>>) {add = true}
    %dma_start3A_35 = arith.constant 160 : i32
    %dma_start3A_36 = tpu.memref_slice %arg7[%dma_start3A_35] : memref<10000xi32, #tpu.memory_space<vmem>> -> memref<80xi32, #tpu.memory_space<vmem>>
    %dma_start3A_37 = arith.constant 0 : i32
    %dma_start3A_38 = arith.constant 0 : i32
    %dma_start3A_39 = tpu.memref_slice %arg2[%dma_start3A_37, %dma_start3A_38] : memref<10000x128xf32, #tpu.memory_space<hbm>> -> memref<10000x128xf32, #tpu.memory_space<hbm>>
    tpu.enqueue_indirect_dma source(%dma_start3A_39 : memref<10000x128xf32, #tpu.memory_space<hbm>>) target(%arg13 : memref<80x128xf32, #tpu.memory_space<vmem>>) offsets(%dma_start3A_36 : memref<80xi32, #tpu.memory_space<vmem>>) semaphore(%arg17 : memref<!tpu.dma_semaphore, #tpu.memory_space<semaphore_mem>>)
    %add3A_40 = arith.constant 160 : i32
    %add3A_41 = arith.addi %mul3A_2, %add3A_40 : i32
    %dma_start3A_42 = tpu.memref_slice %arg4[%add3A_41] : memref<320000xi32, #tpu.memory_space<hbm>> -> memref<80xi32, #tpu.memory_space<hbm>>
    %dma_start3A_43 = tpu.memref_slice %arg4[%add3A_41] : memref<320000xi32, #tpu.memory_space<hbm>> -> memref<80xi32, #tpu.memory_space<hbm>>
    tpu.enqueue_dma source(%dma_start3A_43 : memref<80xi32, #tpu.memory_space<hbm>>) target(%arg10 : memref<80xi32, #tpu.memory_space<vmem>>) target_semaphore(%arg23 : memref<!tpu.dma_semaphore, #tpu.memory_space<semaphore_mem>>)
    %scan3A = arith.constant 0 : i32
    %scan3A_44 = arith.constant 0 : i32
    %scan3A_45 = arith.constant 40 : i32
    %scan3A_46 = arith.addi %scan3A_44, %scan3A_45 : i32
    %scan3A_47 = arith.constant 1 : i32
    %scan3A_48 = scf.for %scan3A_134 = %scan3A_44 to %scan3A_46 step %scan3A_47 iter_args(%scan3A_135 = %scan3A) -> (i32)  : i32 {
      %mul3A_136 = arith.constant 3 : i32
      %mul3A_137 = arith.muli %scan3A_134, %mul3A_136 : i32
      %add3A_138 = arith.constant 1 : i32
      %add3A_139 = arith.addi %mul3A_137, %add3A_138 : i32
      %dma_wait3A_140 = arith.constant 0 : i32
      %dma_wait3A_141 = tpu.memref_slice %arg7[%dma_wait3A_140] : memref<10000xi32, #tpu.memory_space<vmem>> -> memref<80xi32, #tpu.memory_space<vmem>>
      %dma_wait3A_142 = arith.constant 0 : i32
      %dma_wait3A_143 = arith.constant 0 : i32
      %dma_wait3A_144 = tpu.memref_slice %arg2[%dma_wait3A_142, %dma_wait3A_143] : memref<10000x128xf32, #tpu.memory_space<hbm>> -> memref<10000x128xf32, #tpu.memory_space<hbm>>
      tpu.wait_indirect_dma semaphore(%arg16 : memref<!tpu.dma_semaphore, #tpu.memory_space<semaphore_mem>>) src(%dma_wait3A_144 : memref<10000x128xf32, #tpu.memory_space<hbm>>) dst(%arg12 : memref<80x128xf32, #tpu.memory_space<vmem>>)
      %dma_wait3A_145 = tpu.memref_slice %arg4[%mul3A_2] : memref<320000xi32, #tpu.memory_space<hbm>> -> memref<80xi32, #tpu.memory_space<hbm>>
      %dma_wait3A_146 = tpu.memref_slice %arg4[%mul3A_2] : memref<320000xi32, #tpu.memory_space<hbm>> -> memref<80xi32, #tpu.memory_space<hbm>>
      tpu.wait_dma2 semaphore(%arg22 : memref<!tpu.dma_semaphore, #tpu.memory_space<semaphore_mem>>) src(%dma_wait3A_146 : memref<80xi32, #tpu.memory_space<hbm>>) dst(%arg9 : memref<80xi32, #tpu.memory_space<vmem>>)
      %dma_start3A_147 = arith.constant 0 : i32
      %dma_start3A_148 = arith.constant 0 : i32
      %dma_start3A_149 = tpu.memref_slice %arg14[%dma_start3A_147, %dma_start3A_148] : memref<10000x128xf32, #tpu.memory_space<vmem_shared>> -> memref<10000x128xf32, #tpu.memory_space<vmem_shared>>
      tpu.enqueue_indirect_dma source(%arg12 : memref<80x128xf32, #tpu.memory_space<vmem>>) target(%dma_start3A_149 : memref<10000x128xf32, #tpu.memory_space<vmem_shared>>) offsets(%arg9 : memref<80xi32, #tpu.memory_space<vmem>>) semaphore(%arg19 : memref<!tpu.dma_semaphore, #tpu.memory_space<semaphore_mem>>) {add = true}
      %dma_wait3A_150 = arith.constant 0 : i32
      %dma_wait3A_151 = arith.constant 0 : i32
      %dma_wait3A_152 = tpu.memref_slice %arg14[%dma_wait3A_150, %dma_wait3A_151] : memref<10000x128xf32, #tpu.memory_space<vmem_shared>> -> memref<10000x128xf32, #tpu.memory_space<vmem_shared>>
      tpu.wait_indirect_dma semaphore(%arg18 : memref<!tpu.dma_semaphore, #tpu.memory_space<semaphore_mem>>) src(%arg11 : memref<80x128xf32, #tpu.memory_space<vmem>>) dst(%dma_wait3A_152 : memref<10000x128xf32, #tpu.memory_space<vmem_shared>>)
      %add3A_153 = arith.constant 2 : i32
      %add3A_154 = arith.addi %add3A_139, %add3A_153 : i32
      %mul3A_155 = arith.constant 80 : i32
      %mul3A_156 = arith.muli %add3A_154, %mul3A_155 : i32
      %dma_start3A_157 = tpu.memref_slice %arg7[%mul3A_156] : memref<10000xi32, #tpu.memory_space<vmem>> -> memref<80xi32, #tpu.memory_space<vmem>>
      %dma_start3A_158 = arith.constant 0 : i32
      %dma_start3A_159 = arith.constant 0 : i32
      %dma_start3A_160 = tpu.memref_slice %arg2[%dma_start3A_158, %dma_start3A_159] : memref<10000x128xf32, #tpu.memory_space<hbm>> -> memref<10000x128xf32, #tpu.memory_space<hbm>>
      tpu.enqueue_indirect_dma source(%dma_start3A_160 : memref<10000x128xf32, #tpu.memory_space<hbm>>) target(%arg11 : memref<80x128xf32, #tpu.memory_space<vmem>>) offsets(%dma_start3A_157 : memref<80xi32, #tpu.memory_space<vmem>>) semaphore(%arg15 : memref<!tpu.dma_semaphore, #tpu.memory_space<semaphore_mem>>)
      %add3A_161 = arith.constant 2 : i32
      %add3A_162 = arith.addi %add3A_139, %add3A_161 : i32
      %mul3A_163 = arith.constant 80 : i32
      %mul3A_164 = arith.muli %add3A_162, %mul3A_163 : i32
      %add3A_165 = arith.addi %mul3A_2, %mul3A_164 : i32
      %dma_start3A_166 = tpu.memref_slice %arg4[%add3A_165] : memref<320000xi32, #tpu.memory_space<hbm>> -> memref<80xi32, #tpu.memory_space<hbm>>
      %dma_start3A_167 = tpu.memref_slice %arg4[%add3A_165] : memref<320000xi32, #tpu.memory_space<hbm>> -> memref<80xi32, #tpu.memory_space<hbm>>
      tpu.enqueue_dma source(%dma_start3A_167 : memref<80xi32, #tpu.memory_space<hbm>>) target(%arg8 : memref<80xi32, #tpu.memory_space<vmem>>) target_semaphore(%arg21 : memref<!tpu.dma_semaphore, #tpu.memory_space<semaphore_mem>>)
      %add3A_168 = arith.constant 2 : i32
      %add3A_169 = arith.addi %mul3A_137, %add3A_168 : i32
      %dma_wait3A_170 = arith.constant 0 : i32
      %dma_wait3A_171 = tpu.memref_slice %arg7[%dma_wait3A_170] : memref<10000xi32, #tpu.memory_space<vmem>> -> memref<80xi32, #tpu.memory_space<vmem>>
      %dma_wait3A_172 = arith.constant 0 : i32
      %dma_wait3A_173 = arith.constant 0 : i32
      %dma_wait3A_174 = tpu.memref_slice %arg2[%dma_wait3A_172, %dma_wait3A_173] : memref<10000x128xf32, #tpu.memory_space<hbm>> -> memref<10000x128xf32, #tpu.memory_space<hbm>>
      tpu.wait_indirect_dma semaphore(%arg17 : memref<!tpu.dma_semaphore, #tpu.memory_space<semaphore_mem>>) src(%dma_wait3A_174 : memref<10000x128xf32, #tpu.memory_space<hbm>>) dst(%arg13 : memref<80x128xf32, #tpu.memory_space<vmem>>)
      %dma_wait3A_175 = tpu.memref_slice %arg4[%mul3A_2] : memref<320000xi32, #tpu.memory_space<hbm>> -> memref<80xi32, #tpu.memory_space<hbm>>
      %dma_wait3A_176 = tpu.memref_slice %arg4[%mul3A_2] : memref<320000xi32, #tpu.memory_space<hbm>> -> memref<80xi32, #tpu.memory_space<hbm>>
      tpu.wait_dma2 semaphore(%arg23 : memref<!tpu.dma_semaphore, #tpu.memory_space<semaphore_mem>>) src(%dma_wait3A_176 : memref<80xi32, #tpu.memory_space<hbm>>) dst(%arg10 : memref<80xi32, #tpu.memory_space<vmem>>)
      %dma_start3A_177 = arith.constant 0 : i32
      %dma_start3A_178 = arith.constant 0 : i32
      %dma_start3A_179 = tpu.memref_slice %arg14[%dma_start3A_177, %dma_start3A_178] : memref<10000x128xf32, #tpu.memory_space<vmem_shared>> -> memref<10000x128xf32, #tpu.memory_space<vmem_shared>>
      tpu.enqueue_indirect_dma source(%arg13 : memref<80x128xf32, #tpu.memory_space<vmem>>) target(%dma_start3A_179 : memref<10000x128xf32, #tpu.memory_space<vmem_shared>>) offsets(%arg10 : memref<80xi32, #tpu.memory_space<vmem>>) semaphore(%arg20 : memref<!tpu.dma_semaphore, #tpu.memory_space<semaphore_mem>>) {add = true}
      %dma_wait3A_180 = arith.constant 0 : i32
      %dma_wait3A_181 = arith.constant 0 : i32
      %dma_wait3A_182 = tpu.memref_slice %arg14[%dma_wait3A_180, %dma_wait3A_181] : memref<10000x128xf32, #tpu.memory_space<vmem_shared>> -> memref<10000x128xf32, #tpu.memory_space<vmem_shared>>
      tpu.wait_indirect_dma semaphore(%arg19 : memref<!tpu.dma_semaphore, #tpu.memory_space<semaphore_mem>>) src(%arg12 : memref<80x128xf32, #tpu.memory_space<vmem>>) dst(%dma_wait3A_182 : memref<10000x128xf32, #tpu.memory_space<vmem_shared>>)
      %add3A_183 = arith.constant 2 : i32
      %add3A_184 = arith.addi %add3A_169, %add3A_183 : i32
      %mul3A_185 = arith.constant 80 : i32
      %mul3A_186 = arith.muli %add3A_184, %mul3A_185 : i32
      %dma_start3A_187 = tpu.memref_slice %arg7[%mul3A_186] : memref<10000xi32, #tpu.memory_space<vmem>> -> memref<80xi32, #tpu.memory_space<vmem>>
      %dma_start3A_188 = arith.constant 0 : i32
      %dma_start3A_189 = arith.constant 0 : i32
      %dma_start3A_190 = tpu.memref_slice %arg2[%dma_start3A_188, %dma_start3A_189] : memref<10000x128xf32, #tpu.memory_space<hbm>> -> memref<10000x128xf32, #tpu.memory_space<hbm>>
      tpu.enqueue_indirect_dma source(%dma_start3A_190 : memref<10000x128xf32, #tpu.memory_space<hbm>>) target(%arg12 : memref<80x128xf32, #tpu.memory_space<vmem>>) offsets(%dma_start3A_187 : memref<80xi32, #tpu.memory_space<vmem>>) semaphore(%arg16 : memref<!tpu.dma_semaphore, #tpu.memory_space<semaphore_mem>>)
      %add3A_191 = arith.constant 2 : i32
      %add3A_192 = arith.addi %add3A_169, %add3A_191 : i32
      %mul3A_193 = arith.constant 80 : i32
      %mul3A_194 = arith.muli %add3A_192, %mul3A_193 : i32
      %add3A_195 = arith.addi %mul3A_2, %mul3A_194 : i32
      %dma_start3A_196 = tpu.memref_slice %arg4[%add3A_195] : memref<320000xi32, #tpu.memory_space<hbm>> -> memref<80xi32, #tpu.memory_space<hbm>>
      %dma_start3A_197 = tpu.memref_slice %arg4[%add3A_195] : memref<320000xi32, #tpu.memory_space<hbm>> -> memref<80xi32, #tpu.memory_space<hbm>>
      tpu.enqueue_dma source(%dma_start3A_197 : memref<80xi32, #tpu.memory_space<hbm>>) target(%arg9 : memref<80xi32, #tpu.memory_space<vmem>>) target_semaphore(%arg22 : memref<!tpu.dma_semaphore, #tpu.memory_space<semaphore_mem>>)
      %add3A_198 = arith.constant 3 : i32
      %add3A_199 = arith.addi %mul3A_137, %add3A_198 : i32
      %dma_wait3A_200 = arith.constant 0 : i32
      %dma_wait3A_201 = tpu.memref_slice %arg7[%dma_wait3A_200] : memref<10000xi32, #tpu.memory_space<vmem>> -> memref<80xi32, #tpu.memory_space<vmem>>
      %dma_wait3A_202 = arith.constant 0 : i32
      %dma_wait3A_203 = arith.constant 0 : i32
      %dma_wait3A_204 = tpu.memref_slice %arg2[%dma_wait3A_202, %dma_wait3A_203] : memref<10000x128xf32, #tpu.memory_space<hbm>> -> memref<10000x128xf32, #tpu.memory_space<hbm>>
      tpu.wait_indirect_dma semaphore(%arg15 : memref<!tpu.dma_semaphore, #tpu.memory_space<semaphore_mem>>) src(%dma_wait3A_204 : memref<10000x128xf32, #tpu.memory_space<hbm>>) dst(%arg11 : memref<80x128xf32, #tpu.memory_space<vmem>>)
      %dma_wait3A_205 = tpu.memref_slice %arg4[%mul3A_2] : memref<320000xi32, #tpu.memory_space<hbm>> -> memref<80xi32, #tpu.memory_space<hbm>>
      %dma_wait3A_206 = tpu.memref_slice %arg4[%mul3A_2] : memref<320000xi32, #tpu.memory_space<hbm>> -> memref<80xi32, #tpu.memory_space<hbm>>
      tpu.wait_dma2 semaphore(%arg21 : memref<!tpu.dma_semaphore, #tpu.memory_space<semaphore_mem>>) src(%dma_wait3A_206 : memref<80xi32, #tpu.memory_space<hbm>>) dst(%arg8 : memref<80xi32, #tpu.memory_space<vmem>>)
      %dma_start3A_207 = arith.constant 0 : i32
      %dma_start3A_208 = arith.constant 0 : i32
      %dma_start3A_209 = tpu.memref_slice %arg14[%dma_start3A_207, %dma_start3A_208] : memref<10000x128xf32, #tpu.memory_space<vmem_shared>> -> memref<10000x128xf32, #tpu.memory_space<vmem_shared>>
      tpu.enqueue_indirect_dma source(%arg11 : memref<80x128xf32, #tpu.memory_space<vmem>>) target(%dma_start3A_209 : memref<10000x128xf32, #tpu.memory_space<vmem_shared>>) offsets(%arg8 : memref<80xi32, #tpu.memory_space<vmem>>) semaphore(%arg18 : memref<!tpu.dma_semaphore, #tpu.memory_space<semaphore_mem>>) {add = true}
      %dma_wait3A_210 = arith.constant 0 : i32
      %dma_wait3A_211 = arith.constant 0 : i32
      %dma_wait3A_212 = tpu.memref_slice %arg14[%dma_wait3A_210, %dma_wait3A_211] : memref<10000x128xf32, #tpu.memory_space<vmem_shared>> -> memref<10000x128xf32, #tpu.memory_space<vmem_shared>>
      tpu.wait_indirect_dma semaphore(%arg20 : memref<!tpu.dma_semaphore, #tpu.memory_space<semaphore_mem>>) src(%arg13 : memref<80x128xf32, #tpu.memory_space<vmem>>) dst(%dma_wait3A_212 : memref<10000x128xf32, #tpu.memory_space<vmem_shared>>)
      %add3A_213 = arith.constant 2 : i32
      %add3A_214 = arith.addi %add3A_199, %add3A_213 : i32
      %mul3A_215 = arith.constant 80 : i32
      %mul3A_216 = arith.muli %add3A_214, %mul3A_215 : i32
      %dma_start3A_217 = tpu.memref_slice %arg7[%mul3A_216] : memref<10000xi32, #tpu.memory_space<vmem>> -> memref<80xi32, #tpu.memory_space<vmem>>
      %dma_start3A_218 = arith.constant 0 : i32
      %dma_start3A_219 = arith.constant 0 : i32
      %dma_start3A_220 = tpu.memref_slice %arg2[%dma_start3A_218, %dma_start3A_219] : memref<10000x128xf32, #tpu.memory_space<hbm>> -> memref<10000x128xf32, #tpu.memory_space<hbm>>
      tpu.enqueue_indirect_dma source(%dma_start3A_220 : memref<10000x128xf32, #tpu.memory_space<hbm>>) target(%arg13 : memref<80x128xf32, #tpu.memory_space<vmem>>) offsets(%dma_start3A_217 : memref<80xi32, #tpu.memory_space<vmem>>) semaphore(%arg17 : memref<!tpu.dma_semaphore, #tpu.memory_space<semaphore_mem>>)
      %add3A_221 = arith.constant 2 : i32
      %add3A_222 = arith.addi %add3A_199, %add3A_221 : i32
      %mul3A_223 = arith.constant 80 : i32
      %mul3A_224 = arith.muli %add3A_222, %mul3A_223 : i32
      %add3A_225 = arith.addi %mul3A_2, %mul3A_224 : i32
      %dma_start3A_226 = tpu.memref_slice %arg4[%add3A_225] : memref<320000xi32, #tpu.memory_space<hbm>> -> memref<80xi32, #tpu.memory_space<hbm>>
      %dma_start3A_227 = tpu.memref_slice %arg4[%add3A_225] : memref<320000xi32, #tpu.memory_space<hbm>> -> memref<80xi32, #tpu.memory_space<hbm>>
      tpu.enqueue_dma source(%dma_start3A_227 : memref<80xi32, #tpu.memory_space<hbm>>) target(%arg10 : memref<80xi32, #tpu.memory_space<vmem>>) target_semaphore(%arg23 : memref<!tpu.dma_semaphore, #tpu.memory_space<semaphore_mem>>)
      %scan3A_228 = arith.constant 0 : i32
      scf.yield %scan3A_228 : i32
    }
    %scan3A_49 = arith.constant 40 : i32
    %dma_wait3A_50 = arith.constant 0 : i32
    %dma_wait3A_51 = tpu.memref_slice %arg7[%dma_wait3A_50] : memref<10000xi32, #tpu.memory_space<vmem>> -> memref<80xi32, #tpu.memory_space<vmem>>
    %dma_wait3A_52 = arith.constant 0 : i32
    %dma_wait3A_53 = arith.constant 0 : i32
    %dma_wait3A_54 = tpu.memref_slice %arg2[%dma_wait3A_52, %dma_wait3A_53] : memref<10000x128xf32, #tpu.memory_space<hbm>> -> memref<10000x128xf32, #tpu.memory_space<hbm>>
    tpu.wait_indirect_dma semaphore(%arg16 : memref<!tpu.dma_semaphore, #tpu.memory_space<semaphore_mem>>) src(%dma_wait3A_54 : memref<10000x128xf32, #tpu.memory_space<hbm>>) dst(%arg12 : memref<80x128xf32, #tpu.memory_space<vmem>>)
    %dma_wait3A_55 = tpu.memref_slice %arg4[%mul3A_2] : memref<320000xi32, #tpu.memory_space<hbm>> -> memref<80xi32, #tpu.memory_space<hbm>>
    %dma_wait3A_56 = tpu.memref_slice %arg4[%mul3A_2] : memref<320000xi32, #tpu.memory_space<hbm>> -> memref<80xi32, #tpu.memory_space<hbm>>
    tpu.wait_dma2 semaphore(%arg22 : memref<!tpu.dma_semaphore, #tpu.memory_space<semaphore_mem>>) src(%dma_wait3A_56 : memref<80xi32, #tpu.memory_space<hbm>>) dst(%arg9 : memref<80xi32, #tpu.memory_space<vmem>>)
    %dma_start3A_57 = arith.constant 0 : i32
    %dma_start3A_58 = arith.constant 0 : i32
    %dma_start3A_59 = tpu.memref_slice %arg14[%dma_start3A_57, %dma_start3A_58] : memref<10000x128xf32, #tpu.memory_space<vmem_shared>> -> memref<10000x128xf32, #tpu.memory_space<vmem_shared>>
    tpu.enqueue_indirect_dma source(%arg12 : memref<80x128xf32, #tpu.memory_space<vmem>>) target(%dma_start3A_59 : memref<10000x128xf32, #tpu.memory_space<vmem_shared>>) offsets(%arg9 : memref<80xi32, #tpu.memory_space<vmem>>) semaphore(%arg19 : memref<!tpu.dma_semaphore, #tpu.memory_space<semaphore_mem>>) {add = true}
    %dma_wait3A_60 = arith.constant 0 : i32
    %dma_wait3A_61 = arith.constant 0 : i32
    %dma_wait3A_62 = tpu.memref_slice %arg14[%dma_wait3A_60, %dma_wait3A_61] : memref<10000x128xf32, #tpu.memory_space<vmem_shared>> -> memref<10000x128xf32, #tpu.memory_space<vmem_shared>>
    tpu.wait_indirect_dma semaphore(%arg18 : memref<!tpu.dma_semaphore, #tpu.memory_space<semaphore_mem>>) src(%arg11 : memref<80x128xf32, #tpu.memory_space<vmem>>) dst(%dma_wait3A_62 : memref<10000x128xf32, #tpu.memory_space<vmem_shared>>)
    %dma_start3A_63 = arith.constant 9840 : i32
    %dma_start3A_64 = tpu.memref_slice %arg7[%dma_start3A_63] : memref<10000xi32, #tpu.memory_space<vmem>> -> memref<80xi32, #tpu.memory_space<vmem>>
    %dma_start3A_65 = arith.constant 0 : i32
    %dma_start3A_66 = arith.constant 0 : i32
    %dma_start3A_67 = tpu.memref_slice %arg2[%dma_start3A_65, %dma_start3A_66] : memref<10000x128xf32, #tpu.memory_space<hbm>> -> memref<10000x128xf32, #tpu.memory_space<hbm>>
    tpu.enqueue_indirect_dma source(%dma_start3A_67 : memref<10000x128xf32, #tpu.memory_space<hbm>>) target(%arg11 : memref<80x128xf32, #tpu.memory_space<vmem>>) offsets(%dma_start3A_64 : memref<80xi32, #tpu.memory_space<vmem>>) semaphore(%arg15 : memref<!tpu.dma_semaphore, #tpu.memory_space<semaphore_mem>>)
    %add3A_68 = arith.constant 9840 : i32
    %add3A_69 = arith.addi %mul3A_2, %add3A_68 : i32
    %dma_start3A_70 = tpu.memref_slice %arg4[%add3A_69] : memref<320000xi32, #tpu.memory_space<hbm>> -> memref<80xi32, #tpu.memory_space<hbm>>
    %dma_start3A_71 = tpu.memref_slice %arg4[%add3A_69] : memref<320000xi32, #tpu.memory_space<hbm>> -> memref<80xi32, #tpu.memory_space<hbm>>
    tpu.enqueue_dma source(%dma_start3A_71 : memref<80xi32, #tpu.memory_space<hbm>>) target(%arg8 : memref<80xi32, #tpu.memory_space<vmem>>) target_semaphore(%arg21 : memref<!tpu.dma_semaphore, #tpu.memory_space<semaphore_mem>>)
    %dma_wait3A_72 = arith.constant 0 : i32
    %dma_wait3A_73 = tpu.memref_slice %arg7[%dma_wait3A_72] : memref<10000xi32, #tpu.memory_space<vmem>> -> memref<80xi32, #tpu.memory_space<vmem>>
    %dma_wait3A_74 = arith.constant 0 : i32
    %dma_wait3A_75 = arith.constant 0 : i32
    %dma_wait3A_76 = tpu.memref_slice %arg2[%dma_wait3A_74, %dma_wait3A_75] : memref<10000x128xf32, #tpu.memory_space<hbm>> -> memref<10000x128xf32, #tpu.memory_space<hbm>>
    tpu.wait_indirect_dma semaphore(%arg17 : memref<!tpu.dma_semaphore, #tpu.memory_space<semaphore_mem>>) src(%dma_wait3A_76 : memref<10000x128xf32, #tpu.memory_space<hbm>>) dst(%arg13 : memref<80x128xf32, #tpu.memory_space<vmem>>)
    %dma_wait3A_77 = tpu.memref_slice %arg4[%mul3A_2] : memref<320000xi32, #tpu.memory_space<hbm>> -> memref<80xi32, #tpu.memory_space<hbm>>
    %dma_wait3A_78 = tpu.memref_slice %arg4[%mul3A_2] : memref<320000xi32, #tpu.memory_space<hbm>> -> memref<80xi32, #tpu.memory_space<hbm>>
    tpu.wait_dma2 semaphore(%arg23 : memref<!tpu.dma_semaphore, #tpu.memory_space<semaphore_mem>>) src(%dma_wait3A_78 : memref<80xi32, #tpu.memory_space<hbm>>) dst(%arg10 : memref<80xi32, #tpu.memory_space<vmem>>)
    %dma_start3A_79 = arith.constant 0 : i32
    %dma_start3A_80 = arith.constant 0 : i32
    %dma_start3A_81 = tpu.memref_slice %arg14[%dma_start3A_79, %dma_start3A_80] : memref<10000x128xf32, #tpu.memory_space<vmem_shared>> -> memref<10000x128xf32, #tpu.memory_space<vmem_shared>>
    tpu.enqueue_indirect_dma source(%arg13 : memref<80x128xf32, #tpu.memory_space<vmem>>) target(%dma_start3A_81 : memref<10000x128xf32, #tpu.memory_space<vmem_shared>>) offsets(%arg10 : memref<80xi32, #tpu.memory_space<vmem>>) semaphore(%arg20 : memref<!tpu.dma_semaphore, #tpu.memory_space<semaphore_mem>>) {add = true}
    %dma_wait3A_82 = arith.constant 0 : i32
    %dma_wait3A_83 = arith.constant 0 : i32
    %dma_wait3A_84 = tpu.memref_slice %arg14[%dma_wait3A_82, %dma_wait3A_83] : memref<10000x128xf32, #tpu.memory_space<vmem_shared>> -> memref<10000x128xf32, #tpu.memory_space<vmem_shared>>
    tpu.wait_indirect_dma semaphore(%arg19 : memref<!tpu.dma_semaphore, #tpu.memory_space<semaphore_mem>>) src(%arg12 : memref<80x128xf32, #tpu.memory_space<vmem>>) dst(%dma_wait3A_84 : memref<10000x128xf32, #tpu.memory_space<vmem_shared>>)
    %dma_start3A_85 = arith.constant 9920 : i32
    %dma_start3A_86 = tpu.memref_slice %arg7[%dma_start3A_85] : memref<10000xi32, #tpu.memory_space<vmem>> -> memref<80xi32, #tpu.memory_space<vmem>>
    %dma_start3A_87 = arith.constant 0 : i32
    %dma_start3A_88 = arith.constant 0 : i32
    %dma_start3A_89 = tpu.memref_slice %arg2[%dma_start3A_87, %dma_start3A_88] : memref<10000x128xf32, #tpu.memory_space<hbm>> -> memref<10000x128xf32, #tpu.memory_space<hbm>>
    tpu.enqueue_indirect_dma source(%dma_start3A_89 : memref<10000x128xf32, #tpu.memory_space<hbm>>) target(%arg12 : memref<80x128xf32, #tpu.memory_space<vmem>>) offsets(%dma_start3A_86 : memref<80xi32, #tpu.memory_space<vmem>>) semaphore(%arg16 : memref<!tpu.dma_semaphore, #tpu.memory_space<semaphore_mem>>)
    %add3A_90 = arith.constant 9920 : i32
    %add3A_91 = arith.addi %mul3A_2, %add3A_90 : i32
    %dma_start3A_92 = tpu.memref_slice %arg4[%add3A_91] : memref<320000xi32, #tpu.memory_space<hbm>> -> memref<80xi32, #tpu.memory_space<hbm>>
    %dma_start3A_93 = tpu.memref_slice %arg4[%add3A_91] : memref<320000xi32, #tpu.memory_space<hbm>> -> memref<80xi32, #tpu.memory_space<hbm>>
    tpu.enqueue_dma source(%dma_start3A_93 : memref<80xi32, #tpu.memory_space<hbm>>) target(%arg9 : memref<80xi32, #tpu.memory_space<vmem>>) target_semaphore(%arg22 : memref<!tpu.dma_semaphore, #tpu.memory_space<semaphore_mem>>)
    %dma_wait3A_94 = arith.constant 0 : i32
    %dma_wait3A_95 = tpu.memref_slice %arg7[%dma_wait3A_94] : memref<10000xi32, #tpu.memory_space<vmem>> -> memref<80xi32, #tpu.memory_space<vmem>>
    %dma_wait3A_96 = arith.constant 0 : i32
    %dma_wait3A_97 = arith.constant 0 : i32
    %dma_wait3A_98 = tpu.memref_slice %arg2[%dma_wait3A_96, %dma_wait3A_97] : memref<10000x128xf32, #tpu.memory_space<hbm>> -> memref<10000x128xf32, #tpu.memory_space<hbm>>
    tpu.wait_indirect_dma semaphore(%arg15 : memref<!tpu.dma_semaphore, #tpu.memory_space<semaphore_mem>>) src(%dma_wait3A_98 : memref<10000x128xf32, #tpu.memory_space<hbm>>) dst(%arg11 : memref<80x128xf32, #tpu.memory_space<vmem>>)
    %dma_wait3A_99 = tpu.memref_slice %arg4[%mul3A_2] : memref<320000xi32, #tpu.memory_space<hbm>> -> memref<80xi32, #tpu.memory_space<hbm>>
    %dma_wait3A_100 = tpu.memref_slice %arg4[%mul3A_2] : memref<320000xi32, #tpu.memory_space<hbm>> -> memref<80xi32, #tpu.memory_space<hbm>>
    tpu.wait_dma2 semaphore(%arg21 : memref<!tpu.dma_semaphore, #tpu.memory_space<semaphore_mem>>) src(%dma_wait3A_100 : memref<80xi32, #tpu.memory_space<hbm>>) dst(%arg8 : memref<80xi32, #tpu.memory_space<vmem>>)
    %dma_start3A_101 = arith.constant 0 : i32
    %dma_start3A_102 = arith.constant 0 : i32
    %dma_start3A_103 = tpu.memref_slice %arg14[%dma_start3A_101, %dma_start3A_102] : memref<10000x128xf32, #tpu.memory_space<vmem_shared>> -> memref<10000x128xf32, #tpu.memory_space<vmem_shared>>
    tpu.enqueue_indirect_dma source(%arg11 : memref<80x128xf32, #tpu.memory_space<vmem>>) target(%dma_start3A_103 : memref<10000x128xf32, #tpu.memory_space<vmem_shared>>) offsets(%arg8 : memref<80xi32, #tpu.memory_space<vmem>>) semaphore(%arg18 : memref<!tpu.dma_semaphore, #tpu.memory_space<semaphore_mem>>) {add = true}
    %dma_wait3A_104 = arith.constant 0 : i32
    %dma_wait3A_105 = arith.constant 0 : i32
    %dma_wait3A_106 = tpu.memref_slice %arg14[%dma_wait3A_104, %dma_wait3A_105] : memref<10000x128xf32, #tpu.memory_space<vmem_shared>> -> memref<10000x128xf32, #tpu.memory_space<vmem_shared>>
    tpu.wait_indirect_dma semaphore(%arg20 : memref<!tpu.dma_semaphore, #tpu.memory_space<semaphore_mem>>) src(%arg13 : memref<80x128xf32, #tpu.memory_space<vmem>>) dst(%dma_wait3A_106 : memref<10000x128xf32, #tpu.memory_space<vmem_shared>>)
    %dma_wait3A_107 = arith.constant 0 : i32
    %dma_wait3A_108 = tpu.memref_slice %arg7[%dma_wait3A_107] : memref<10000xi32, #tpu.memory_space<vmem>> -> memref<80xi32, #tpu.memory_space<vmem>>
    %dma_wait3A_109 = arith.constant 0 : i32
    %dma_wait3A_110 = arith.constant 0 : i32
    %dma_wait3A_111 = tpu.memref_slice %arg2[%dma_wait3A_109, %dma_wait3A_110] : memref<10000x128xf32, #tpu.memory_space<hbm>> -> memref<10000x128xf32, #tpu.memory_space<hbm>>
    tpu.wait_indirect_dma semaphore(%arg16 : memref<!tpu.dma_semaphore, #tpu.memory_space<semaphore_mem>>) src(%dma_wait3A_111 : memref<10000x128xf32, #tpu.memory_space<hbm>>) dst(%arg12 : memref<80x128xf32, #tpu.memory_space<vmem>>)
    %dma_wait3A_112 = tpu.memref_slice %arg4[%mul3A_2] : memref<320000xi32, #tpu.memory_space<hbm>> -> memref<80xi32, #tpu.memory_space<hbm>>
    %dma_wait3A_113 = tpu.memref_slice %arg4[%mul3A_2] : memref<320000xi32, #tpu.memory_space<hbm>> -> memref<80xi32, #tpu.memory_space<hbm>>
    tpu.wait_dma2 semaphore(%arg22 : memref<!tpu.dma_semaphore, #tpu.memory_space<semaphore_mem>>) src(%dma_wait3A_113 : memref<80xi32, #tpu.memory_space<hbm>>) dst(%arg9 : memref<80xi32, #tpu.memory_space<vmem>>)
    %dma_start3A_114 = arith.constant 0 : i32
    %dma_start3A_115 = arith.constant 0 : i32
    %dma_start3A_116 = tpu.memref_slice %arg14[%dma_start3A_114, %dma_start3A_115] : memref<10000x128xf32, #tpu.memory_space<vmem_shared>> -> memref<10000x128xf32, #tpu.memory_space<vmem_shared>>
    tpu.enqueue_indirect_dma source(%arg12 : memref<80x128xf32, #tpu.memory_space<vmem>>) target(%dma_start3A_116 : memref<10000x128xf32, #tpu.memory_space<vmem_shared>>) offsets(%arg9 : memref<80xi32, #tpu.memory_space<vmem>>) semaphore(%arg19 : memref<!tpu.dma_semaphore, #tpu.memory_space<semaphore_mem>>) {add = true}
    %dma_wait3A_117 = arith.constant 0 : i32
    %dma_wait3A_118 = arith.constant 0 : i32
    %dma_wait3A_119 = tpu.memref_slice %arg14[%dma_wait3A_117, %dma_wait3A_118] : memref<10000x128xf32, #tpu.memory_space<vmem_shared>> -> memref<10000x128xf32, #tpu.memory_space<vmem_shared>>
    tpu.wait_indirect_dma semaphore(%arg18 : memref<!tpu.dma_semaphore, #tpu.memory_space<semaphore_mem>>) src(%arg11 : memref<80x128xf32, #tpu.memory_space<vmem>>) dst(%dma_wait3A_119 : memref<10000x128xf32, #tpu.memory_space<vmem_shared>>)
    %dma_wait3A_120 = arith.constant 0 : i32
    %dma_wait3A_121 = arith.constant 0 : i32
    %dma_wait3A_122 = tpu.memref_slice %arg14[%dma_wait3A_120, %dma_wait3A_121] : memref<10000x128xf32, #tpu.memory_space<vmem_shared>> -> memref<10000x128xf32, #tpu.memory_space<vmem_shared>>
    tpu.wait_indirect_dma semaphore(%arg19 : memref<!tpu.dma_semaphore, #tpu.memory_space<semaphore_mem>>) src(%arg12 : memref<80x128xf32, #tpu.memory_space<vmem>>) dst(%dma_wait3A_122 : memref<10000x128xf32, #tpu.memory_space<vmem_shared>>)
    %barrier3A_123 = arith.constant 0 : index
    tpu.barrier barrier_id(%barrier3A_123)
    %lt3A_124 = arith.constant 15 : i32
    %lt3A_125 = arith.cmpi slt, %arg1, %lt3A_124 : i32
    %convert_element_type3A_126 = arith.extui %lt3A_125 : i1 to i32
    %cond3A_127 = arith.constant 0 : i32
    %cond3A_128 = arith.cmpi ne, %convert_element_type3A_126, %cond3A_127 : i32
    scf.if %cond3A_128 {
      %mul3A_134 = arith.constant 632 : i32
      %mul3A_135 = arith.muli %arg1, %mul3A_134 : i32
      %mul3A_136 = arith.constant 632 : i32
      %mul3A_137 = arith.muli %arg1, %mul3A_136 : i32
      "tpu.region"() ({
        %run_scoped3A = tpu.sem_alloc : memref<!tpu.dma_semaphore, #tpu.memory_space<semaphore_mem>>
        %dma_start3A_138 = arith.constant 0 : i32
        %dma_start3A_139 = tpu.memref_slice %arg6[%arg0, %mul3A_137, %dma_start3A_138] : memref<2x10000x128xf32, #tpu.memory_space<hbm>> -> memref<1x632x128xf32, #tpu.memory_space<hbm>>
        %dma_start3A_140 = tpu.memref_squeeze %dma_start3A_139 : memref<1x632x128xf32, #tpu.memory_space<hbm>> -> memref<632x128xf32, #tpu.memory_space<hbm>>
        %dma_start3A_141 = arith.constant 0 : i32
        %dma_start3A_142 = tpu.memref_slice %arg14[%mul3A_135, %dma_start3A_141] : memref<10000x128xf32, #tpu.memory_space<vmem_shared>> -> memref<632x128xf32, #tpu.memory_space<vmem_shared>>
        tpu.enqueue_dma source(%dma_start3A_142 : memref<632x128xf32, #tpu.memory_space<vmem_shared>>) target(%dma_start3A_140 : memref<632x128xf32, #tpu.memory_space<hbm>>) target_semaphore(%run_scoped3A : memref<!tpu.dma_semaphore, #tpu.memory_space<semaphore_mem>>)
        %dma_wait3A_143 = arith.constant 0 : i32
        %dma_wait3A_144 = tpu.memref_slice %arg6[%arg0, %mul3A_137, %dma_wait3A_143] : memref<2x10000x128xf32, #tpu.memory_space<hbm>> -> memref<1x632x128xf32, #tpu.memory_space<hbm>>
        %dma_wait3A_145 = tpu.memref_squeeze %dma_wait3A_144 : memref<1x632x128xf32, #tpu.memory_space<hbm>> -> memref<632x128xf32, #tpu.memory_space<hbm>>
        %dma_wait3A_146 = arith.constant 0 : i32
        %dma_wait3A_147 = tpu.memref_slice %arg14[%mul3A_135, %dma_wait3A_146] : memref<10000x128xf32, #tpu.memory_space<vmem_shared>> -> memref<632x128xf32, #tpu.memory_space<vmem_shared>>
        tpu.wait_dma2 semaphore(%run_scoped3A : memref<!tpu.dma_semaphore, #tpu.memory_space<semaphore_mem>>) src(%dma_wait3A_147 : memref<632x128xf32, #tpu.memory_space<vmem_shared>>) dst(%dma_wait3A_145 : memref<632x128xf32, #tpu.memory_space<hbm>>)
        tpu.yield
      }) : () -> ()
    } else {
    }
    %eq3A_129 = arith.constant 15 : i32
    %eq3A_130 = arith.cmpi eq, %arg1, %eq3A_129 : i32
    %convert_element_type3A_131 = arith.extui %eq3A_130 : i1 to i32
    %cond3A_132 = arith.constant 0 : i32
    %cond3A_133 = arith.cmpi ne, %convert_element_type3A_131, %cond3A_132 : i32
    scf.if %cond3A_133 {
      "tpu.region"() ({
        %run_scoped3A = tpu.sem_alloc : memref<!tpu.dma_semaphore, #tpu.memory_space<semaphore_mem>>
        %dma_start3A_134 = arith.constant 9480 : i32
        %dma_start3A_135 = arith.constant 0 : i32
        %dma_start3A_136 = tpu.memref_slice %arg6[%arg0, %dma_start3A_134, %dma_start3A_135] : memref<2x10000x128xf32, #tpu.memory_space<hbm>> -> memref<1x520x128xf32, #tpu.memory_space<hbm>>
        %dma_start3A_137 = tpu.memref_squeeze %dma_start3A_136 : memref<1x520x128xf32, #tpu.memory_space<hbm>> -> memref<520x128xf32, #tpu.memory_space<hbm>>
        %dma_start3A_138 = arith.constant 9480 : i32
        %dma_start3A_139 = arith.constant 0 : i32
        %dma_start3A_140 = tpu.memref_slice %arg14[%dma_start3A_138, %dma_start3A_139] : memref<10000x128xf32, #tpu.memory_space<vmem_shared>> -> memref<520x128xf32, #tpu.memory_space<vmem_shared>>
        tpu.enqueue_dma source(%dma_start3A_140 : memref<520x128xf32, #tpu.memory_space<vmem_shared>>) target(%dma_start3A_137 : memref<520x128xf32, #tpu.memory_space<hbm>>) target_semaphore(%run_scoped3A : memref<!tpu.dma_semaphore, #tpu.memory_space<semaphore_mem>>)
        %dma_wait3A_141 = arith.constant 9480 : i32
        %dma_wait3A_142 = arith.constant 0 : i32
        %dma_wait3A_143 = tpu.memref_slice %arg6[%arg0, %dma_wait3A_141, %dma_wait3A_142] : memref<2x10000x128xf32, #tpu.memory_space<hbm>> -> memref<1x520x128xf32, #tpu.memory_space<hbm>>
        %dma_wait3A_144 = tpu.memref_squeeze %dma_wait3A_143 : memref<1x520x128xf32, #tpu.memory_space<hbm>> -> memref<520x128xf32, #tpu.memory_space<hbm>>
        %dma_wait3A_145 = arith.constant 9480 : i32
        %dma_wait3A_146 = arith.constant 0 : i32
        %dma_wait3A_147 = tpu.memref_slice %arg14[%dma_wait3A_145, %dma_wait3A_146] : memref<10000x128xf32, #tpu.memory_space<vmem_shared>> -> memref<520x128xf32, #tpu.memory_space<vmem_shared>>
        tpu.wait_dma2 semaphore(%run_scoped3A : memref<!tpu.dma_semaphore, #tpu.memory_space<semaphore_mem>>) src(%dma_wait3A_147 : memref<520x128xf32, #tpu.memory_space<vmem_shared>>) dst(%dma_wait3A_144 : memref<520x128xf32, #tpu.memory_space<hbm>>)
        tpu.yield
      }) : () -> ()
    } else {
    }
    return
  }
}

#map = affine_map<(d0, d1) -> (0, 0)>
#map1 = affine_map<(d0, d1) -> (0)>
#map2 = affine_map<(d0, d1) -> (0, 0, 0)>
module attributes {stable_mosaic.version = 14 : i64} {
  func.func @_agg_sc(%arg0: i32, %arg1: i32, %arg2: memref<10000x128xf32, #tpu.memory_space<hbm>>, %arg3: memref<320000xi32, #tpu.memory_space<hbm>>, %arg4: memref<320000xi32, #tpu.memory_space<hbm>>, %arg5: memref<632x128xf32, #tpu.memory_space<hbm>>, %arg6: memref<2x10000x128xf32, #tpu.memory_space<hbm>>, %arg7: memref<10000xi32, #tpu.memory_space<vmem>>, %arg8: memref<80xi32, #tpu.memory_space<vmem>>, %arg9: memref<80xi32, #tpu.memory_space<vmem>>, %arg10: memref<80xi32, #tpu.memory_space<vmem>>, %arg11: memref<80x128xf32, #tpu.memory_space<vmem>>, %arg12: memref<80x128xf32, #tpu.memory_space<vmem>>, %arg13: memref<80x128xf32, #tpu.memory_space<vmem>>, %arg14: memref<10000x128xf32, #tpu.memory_space<vmem_shared>>, %arg15: memref<!tpu.dma_semaphore, #tpu.memory_space<semaphore_mem>>, %arg16: memref<!tpu.dma_semaphore, #tpu.memory_space<semaphore_mem>>, %arg17: memref<!tpu.dma_semaphore, #tpu.memory_space<semaphore_mem>>, %arg18: memref<!tpu.dma_semaphore, #tpu.memory_space<semaphore_mem>>, %arg19: memref<!tpu.dma_semaphore, #tpu.memory_space<semaphore_mem>>, %arg20: memref<!tpu.dma_semaphore, #tpu.memory_space<semaphore_mem>>, %arg21: memref<!tpu.dma_semaphore, #tpu.memory_space<semaphore_mem>>, %arg22: memref<!tpu.dma_semaphore, #tpu.memory_space<semaphore_mem>>, %arg23: memref<!tpu.dma_semaphore, #tpu.memory_space<semaphore_mem>>) attributes {dimension_semantics = [#tpu.dimension_semantics<core_parallel>, #tpu.dimension_semantics<subcore_parallel>], iteration_bounds = array<i64: 2, 16>, scalar_prefetch = 0 : i64, scratch_operands = 17 : i64, tpu.core_type = #tpu.core_type<sc_vector_subcore>, window_params = [{transform_indices = #map}, {transform_indices = #map1}, {transform_indices = #map1}, {transform_indices = #map}, {transform_indices = #map2}]} {
    %mul3A = arith.constant 16 : i32
    %mul3A_0 = arith.muli %arg0, %mul3A : i32
    %add3A = arith.addi %mul3A_0, %arg1 : i32
    %mul3A_1 = arith.constant 10000 : i32
    %mul3A_2 = arith.muli %add3A, %mul3A_1 : i32
    "tpu.region"() ({
      %run_scoped3A = tpu.sem_alloc : memref<!tpu.dma_semaphore, #tpu.memory_space<semaphore_mem>>
      %dma_start3A_134 = tpu.memref_slice %arg3[%mul3A_2] : memref<320000xi32, #tpu.memory_space<hbm>> -> memref<10000xi32, #tpu.memory_space<hbm>>
      %dma_start3A_135 = tpu.memref_slice %arg3[%mul3A_2] : memref<320000xi32, #tpu.memory_space<hbm>> -> memref<10000xi32, #tpu.memory_space<hbm>>
      tpu.enqueue_dma source(%dma_start3A_135 : memref<10000xi32, #tpu.memory_space<hbm>>) target(%arg7 : memref<10000xi32, #tpu.memory_space<vmem>>) target_semaphore(%run_scoped3A : memref<!tpu.dma_semaphore, #tpu.memory_space<semaphore_mem>>)
      %dma_wait3A_136 = tpu.memref_slice %arg3[%mul3A_2] : memref<320000xi32, #tpu.memory_space<hbm>> -> memref<10000xi32, #tpu.memory_space<hbm>>
      %dma_wait3A_137 = tpu.memref_slice %arg3[%mul3A_2] : memref<320000xi32, #tpu.memory_space<hbm>> -> memref<10000xi32, #tpu.memory_space<hbm>>
      tpu.wait_dma2 semaphore(%run_scoped3A : memref<!tpu.dma_semaphore, #tpu.memory_space<semaphore_mem>>) src(%dma_wait3A_137 : memref<10000xi32, #tpu.memory_space<hbm>>) dst(%arg7 : memref<10000xi32, #tpu.memory_space<vmem>>)
      tpu.yield
    }) : () -> ()
    %lt3A = arith.constant 15 : i32
    %lt3A_3 = arith.cmpi slt, %arg1, %lt3A : i32
    %convert_element_type3A = arith.extui %lt3A_3 : i1 to i32
    %cond3A = arith.constant 0 : i32
    %cond3A_4 = arith.cmpi ne, %convert_element_type3A, %cond3A : i32
    scf.if %cond3A_4 {
      %mul3A_134 = arith.constant 632 : i32
      %mul3A_135 = arith.muli %arg1, %mul3A_134 : i32
      "tpu.region"() ({
        %run_scoped3A = tpu.sem_alloc : memref<!tpu.dma_semaphore, #tpu.memory_space<semaphore_mem>>
        %dma_start3A_136 = arith.constant 0 : i32
        %dma_start3A_137 = tpu.memref_slice %arg14[%mul3A_135, %dma_start3A_136] : memref<10000x128xf32, #tpu.memory_space<vmem_shared>> -> memref<632x128xf32, #tpu.memory_space<vmem_shared>>
        tpu.enqueue_dma source(%arg5 : memref<632x128xf32, #tpu.memory_space<hbm>>) target(%dma_start3A_137 : memref<632x128xf32, #tpu.memory_space<vmem_shared>>) target_semaphore(%run_scoped3A : memref<!tpu.dma_semaphore, #tpu.memory_space<semaphore_mem>>)
        %dma_wait3A_138 = arith.constant 0 : i32
        %dma_wait3A_139 = tpu.memref_slice %arg14[%mul3A_135, %dma_wait3A_138] : memref<10000x128xf32, #tpu.memory_space<vmem_shared>> -> memref<632x128xf32, #tpu.memory_space<vmem_shared>>
        tpu.wait_dma2 semaphore(%run_scoped3A : memref<!tpu.dma_semaphore, #tpu.memory_space<semaphore_mem>>) src(%arg5 : memref<632x128xf32, #tpu.memory_space<hbm>>) dst(%dma_wait3A_139 : memref<632x128xf32, #tpu.memory_space<vmem_shared>>)
        tpu.yield
      }) : () -> ()
    } else {
    }
    %eq3A = arith.constant 15 : i32
    %eq3A_5 = arith.cmpi eq, %arg1, %eq3A : i32
    %convert_element_type3A_6 = arith.extui %eq3A_5 : i1 to i32
    %cond3A_7 = arith.constant 0 : i32
    %cond3A_8 = arith.cmpi ne, %convert_element_type3A_6, %cond3A_7 : i32
    scf.if %cond3A_8 {
      "tpu.region"() ({
        %run_scoped3A = tpu.sem_alloc : memref<!tpu.dma_semaphore, #tpu.memory_space<semaphore_mem>>
        %dma_start3A_134 = arith.constant 9480 : i32
        %dma_start3A_135 = arith.constant 0 : i32
        %dma_start3A_136 = tpu.memref_slice %arg14[%dma_start3A_134, %dma_start3A_135] : memref<10000x128xf32, #tpu.memory_space<vmem_shared>> -> memref<520x128xf32, #tpu.memory_space<vmem_shared>>
        %dma_start3A_137 = arith.constant 0 : i32
        %dma_start3A_138 = arith.constant 0 : i32
        %dma_start3A_139 = tpu.memref_slice %arg5[%dma_start3A_137, %dma_start3A_138] : memref<632x128xf32, #tpu.memory_space<hbm>> -> memref<520x128xf32, #tpu.memory_space<hbm>>
        tpu.enqueue_dma source(%dma_start3A_139 : memref<520x128xf32, #tpu.memory_space<hbm>>) target(%dma_start3A_136 : memref<520x128xf32, #tpu.memory_space<vmem_shared>>) target_semaphore(%run_scoped3A : memref<!tpu.dma_semaphore, #tpu.memory_space<semaphore_mem>>)
        %dma_wait3A_140 = arith.constant 9480 : i32
        %dma_wait3A_141 = arith.constant 0 : i32
        %dma_wait3A_142 = tpu.memref_slice %arg14[%dma_wait3A_140, %dma_wait3A_141] : memref<10000x128xf32, #tpu.memory_space<vmem_shared>> -> memref<520x128xf32, #tpu.memory_space<vmem_shared>>
        %dma_wait3A_143 = arith.constant 0 : i32
        %dma_wait3A_144 = arith.constant 0 : i32
        %dma_wait3A_145 = tpu.memref_slice %arg5[%dma_wait3A_143, %dma_wait3A_144] : memref<632x128xf32, #tpu.memory_space<hbm>> -> memref<520x128xf32, #tpu.memory_space<hbm>>
        tpu.wait_dma2 semaphore(%run_scoped3A : memref<!tpu.dma_semaphore, #tpu.memory_space<semaphore_mem>>) src(%dma_wait3A_145 : memref<520x128xf32, #tpu.memory_space<hbm>>) dst(%dma_wait3A_142 : memref<520x128xf32, #tpu.memory_space<vmem_shared>>)
        tpu.yield
      }) : () -> ()
    } else {
    }
    %barrier3A = arith.constant 0 : index
    tpu.barrier barrier_id(%barrier3A)
    %dma_start3A = arith.constant 0 : i32
    %dma_start3A_9 = tpu.memref_slice %arg7[%dma_start3A] : memref<10000xi32, #tpu.memory_space<vmem>> -> memref<80xi32, #tpu.memory_space<vmem>>
    %dma_start3A_10 = arith.constant 0 : i32
    %dma_start3A_11 = arith.constant 0 : i32
    %dma_start3A_12 = tpu.memref_slice %arg2[%dma_start3A_10, %dma_start3A_11] : memref<10000x128xf32, #tpu.memory_space<hbm>> -> memref<10000x128xf32, #tpu.memory_space<hbm>>
    tpu.enqueue_indirect_dma source(%dma_start3A_12 : memref<10000x128xf32, #tpu.memory_space<hbm>>) target(%arg11 : memref<80x128xf32, #tpu.memory_space<vmem>>) offsets(%dma_start3A_9 : memref<80xi32, #tpu.memory_space<vmem>>) semaphore(%arg15 : memref<!tpu.dma_semaphore, #tpu.memory_space<semaphore_mem>>)
    %add3A_13 = arith.constant 0 : i32
    %add3A_14 = arith.addi %mul3A_2, %add3A_13 : i32
    %dma_start3A_15 = tpu.memref_slice %arg4[%add3A_14] : memref<320000xi32, #tpu.memory_space<hbm>> -> memref<80xi32, #tpu.memory_space<hbm>>
    %dma_start3A_16 = tpu.memref_slice %arg4[%add3A_14] : memref<320000xi32, #tpu.memory_space<hbm>> -> memref<80xi32, #tpu.memory_space<hbm>>
    tpu.enqueue_dma source(%dma_start3A_16 : memref<80xi32, #tpu.memory_space<hbm>>) target(%arg8 : memref<80xi32, #tpu.memory_space<vmem>>) target_semaphore(%arg21 : memref<!tpu.dma_semaphore, #tpu.memory_space<semaphore_mem>>)
    %dma_start3A_17 = arith.constant 80 : i32
    %dma_start3A_18 = tpu.memref_slice %arg7[%dma_start3A_17] : memref<10000xi32, #tpu.memory_space<vmem>> -> memref<80xi32, #tpu.memory_space<vmem>>
    %dma_start3A_19 = arith.constant 0 : i32
    %dma_start3A_20 = arith.constant 0 : i32
    %dma_start3A_21 = tpu.memref_slice %arg2[%dma_start3A_19, %dma_start3A_20] : memref<10000x128xf32, #tpu.memory_space<hbm>> -> memref<10000x128xf32, #tpu.memory_space<hbm>>
    tpu.enqueue_indirect_dma source(%dma_start3A_21 : memref<10000x128xf32, #tpu.memory_space<hbm>>) target(%arg12 : memref<80x128xf32, #tpu.memory_space<vmem>>) offsets(%dma_start3A_18 : memref<80xi32, #tpu.memory_space<vmem>>) semaphore(%arg16 : memref<!tpu.dma_semaphore, #tpu.memory_space<semaphore_mem>>)
    %add3A_22 = arith.constant 80 : i32
    %add3A_23 = arith.addi %mul3A_2, %add3A_22 : i32
    %dma_start3A_24 = tpu.memref_slice %arg4[%add3A_23] : memref<320000xi32, #tpu.memory_space<hbm>> -> memref<80xi32, #tpu.memory_space<hbm>>
    %dma_start3A_25 = tpu.memref_slice %arg4[%add3A_23] : memref<320000xi32, #tpu.memory_space<hbm>> -> memref<80xi32, #tpu.memory_space<hbm>>
    tpu.enqueue_dma source(%dma_start3A_25 : memref<80xi32, #tpu.memory_space<hbm>>) target(%arg9 : memref<80xi32, #tpu.memory_space<vmem>>) target_semaphore(%arg22 : memref<!tpu.dma_semaphore, #tpu.memory_space<semaphore_mem>>)
    %dma_wait3A = arith.constant 0 : i32
    %dma_wait3A_26 = tpu.memref_slice %arg7[%dma_wait3A] : memref<10000xi32, #tpu.memory_space<vmem>> -> memref<80xi32, #tpu.memory_space<vmem>>
    %dma_wait3A_27 = arith.constant 0 : i32
    %dma_wait3A_28 = arith.constant 0 : i32
    %dma_wait3A_29 = tpu.memref_slice %arg2[%dma_wait3A_27, %dma_wait3A_28] : memref<10000x128xf32, #tpu.memory_space<hbm>> -> memref<10000x128xf32, #tpu.memory_space<hbm>>
    tpu.wait_indirect_dma semaphore(%arg15 : memref<!tpu.dma_semaphore, #tpu.memory_space<semaphore_mem>>) src(%dma_wait3A_29 : memref<10000x128xf32, #tpu.memory_space<hbm>>) dst(%arg11 : memref<80x128xf32, #tpu.memory_space<vmem>>)
    %dma_wait3A_30 = tpu.memref_slice %arg4[%mul3A_2] : memref<320000xi32, #tpu.memory_space<hbm>> -> memref<80xi32, #tpu.memory_space<hbm>>
    %dma_wait3A_31 = tpu.memref_slice %arg4[%mul3A_2] : memref<320000xi32, #tpu.memory_space<hbm>> -> memref<80xi32, #tpu.memory_space<hbm>>
    tpu.wait_dma2 semaphore(%arg21 : memref<!tpu.dma_semaphore, #tpu.memory_space<semaphore_mem>>) src(%dma_wait3A_31 : memref<80xi32, #tpu.memory_space<hbm>>) dst(%arg8 : memref<80xi32, #tpu.memory_space<vmem>>)
    %dma_start3A_32 = arith.constant 0 : i32
    %dma_start3A_33 = arith.constant 0 : i32
    %dma_start3A_34 = tpu.memref_slice %arg14[%dma_start3A_32, %dma_start3A_33] : memref<10000x128xf32, #tpu.memory_space<vmem_shared>> -> memref<10000x128xf32, #tpu.memory_space<vmem_shared>>
    tpu.enqueue_indirect_dma source(%arg11 : memref<80x128xf32, #tpu.memory_space<vmem>>) target(%dma_start3A_34 : memref<10000x128xf32, #tpu.memory_space<vmem_shared>>) offsets(%arg8 : memref<80xi32, #tpu.memory_space<vmem>>) semaphore(%arg18 : memref<!tpu.dma_semaphore, #tpu.memory_space<semaphore_mem>>) {add = true}
    %dma_start3A_35 = arith.constant 160 : i32
    %dma_start3A_36 = tpu.memref_slice %arg7[%dma_start3A_35] : memref<10000xi32, #tpu.memory_space<vmem>> -> memref<80xi32, #tpu.memory_space<vmem>>
    %dma_start3A_37 = arith.constant 0 : i32
    %dma_start3A_38 = arith.constant 0 : i32
    %dma_start3A_39 = tpu.memref_slice %arg2[%dma_start3A_37, %dma_start3A_38] : memref<10000x128xf32, #tpu.memory_space<hbm>> -> memref<10000x128xf32, #tpu.memory_space<hbm>>
    tpu.enqueue_indirect_dma source(%dma_start3A_39 : memref<10000x128xf32, #tpu.memory_space<hbm>>) target(%arg13 : memref<80x128xf32, #tpu.memory_space<vmem>>) offsets(%dma_start3A_36 : memref<80xi32, #tpu.memory_space<vmem>>) semaphore(%arg17 : memref<!tpu.dma_semaphore, #tpu.memory_space<semaphore_mem>>)
    %add3A_40 = arith.constant 160 : i32
    %add3A_41 = arith.addi %mul3A_2, %add3A_40 : i32
    %dma_start3A_42 = tpu.memref_slice %arg4[%add3A_41] : memref<320000xi32, #tpu.memory_space<hbm>> -> memref<80xi32, #tpu.memory_space<hbm>>
    %dma_start3A_43 = tpu.memref_slice %arg4[%add3A_41] : memref<320000xi32, #tpu.memory_space<hbm>> -> memref<80xi32, #tpu.memory_space<hbm>>
    tpu.enqueue_dma source(%dma_start3A_43 : memref<80xi32, #tpu.memory_space<hbm>>) target(%arg10 : memref<80xi32, #tpu.memory_space<vmem>>) target_semaphore(%arg23 : memref<!tpu.dma_semaphore, #tpu.memory_space<semaphore_mem>>)
    %scan3A = arith.constant 0 : i32
    %scan3A_44 = arith.constant 0 : i32
    %scan3A_45 = arith.constant 40 : i32
    %scan3A_46 = arith.addi %scan3A_44, %scan3A_45 : i32
    %scan3A_47 = arith.constant 1 : i32
    %scan3A_48 = scf.for %scan3A_134 = %scan3A_44 to %scan3A_46 step %scan3A_47 iter_args(%scan3A_135 = %scan3A) -> (i32)  : i32 {
      %mul3A_136 = arith.constant 3 : i32
      %mul3A_137 = arith.muli %scan3A_134, %mul3A_136 : i32
      %add3A_138 = arith.constant 1 : i32
      %add3A_139 = arith.addi %mul3A_137, %add3A_138 : i32
      %dma_wait3A_140 = arith.constant 0 : i32
      %dma_wait3A_141 = tpu.memref_slice %arg7[%dma_wait3A_140] : memref<10000xi32, #tpu.memory_space<vmem>> -> memref<80xi32, #tpu.memory_space<vmem>>
      %dma_wait3A_142 = arith.constant 0 : i32
      %dma_wait3A_143 = arith.constant 0 : i32
      %dma_wait3A_144 = tpu.memref_slice %arg2[%dma_wait3A_142, %dma_wait3A_143] : memref<10000x128xf32, #tpu.memory_space<hbm>> -> memref<10000x128xf32, #tpu.memory_space<hbm>>
      tpu.wait_indirect_dma semaphore(%arg16 : memref<!tpu.dma_semaphore, #tpu.memory_space<semaphore_mem>>) src(%dma_wait3A_144 : memref<10000x128xf32, #tpu.memory_space<hbm>>) dst(%arg12 : memref<80x128xf32, #tpu.memory_space<vmem>>)
      %dma_wait3A_145 = tpu.memref_slice %arg4[%mul3A_2] : memref<320000xi32, #tpu.memory_space<hbm>> -> memref<80xi32, #tpu.memory_space<hbm>>
      %dma_wait3A_146 = tpu.memref_slice %arg4[%mul3A_2] : memref<320000xi32, #tpu.memory_space<hbm>> -> memref<80xi32, #tpu.memory_space<hbm>>
      tpu.wait_dma2 semaphore(%arg22 : memref<!tpu.dma_semaphore, #tpu.memory_space<semaphore_mem>>) src(%dma_wait3A_146 : memref<80xi32, #tpu.memory_space<hbm>>) dst(%arg9 : memref<80xi32, #tpu.memory_space<vmem>>)
      %dma_start3A_147 = arith.constant 0 : i32
      %dma_start3A_148 = arith.constant 0 : i32
      %dma_start3A_149 = tpu.memref_slice %arg14[%dma_start3A_147, %dma_start3A_148] : memref<10000x128xf32, #tpu.memory_space<vmem_shared>> -> memref<10000x128xf32, #tpu.memory_space<vmem_shared>>
      tpu.enqueue_indirect_dma source(%arg12 : memref<80x128xf32, #tpu.memory_space<vmem>>) target(%dma_start3A_149 : memref<10000x128xf32, #tpu.memory_space<vmem_shared>>) offsets(%arg9 : memref<80xi32, #tpu.memory_space<vmem>>) semaphore(%arg19 : memref<!tpu.dma_semaphore, #tpu.memory_space<semaphore_mem>>) {add = true}
      %dma_wait3A_150 = arith.constant 0 : i32
      %dma_wait3A_151 = arith.constant 0 : i32
      %dma_wait3A_152 = tpu.memref_slice %arg14[%dma_wait3A_150, %dma_wait3A_151] : memref<10000x128xf32, #tpu.memory_space<vmem_shared>> -> memref<10000x128xf32, #tpu.memory_space<vmem_shared>>
      tpu.wait_indirect_dma semaphore(%arg18 : memref<!tpu.dma_semaphore, #tpu.memory_space<semaphore_mem>>) src(%arg11 : memref<80x128xf32, #tpu.memory_space<vmem>>) dst(%dma_wait3A_152 : memref<10000x128xf32, #tpu.memory_space<vmem_shared>>)
      %add3A_153 = arith.constant 2 : i32
      %add3A_154 = arith.addi %add3A_139, %add3A_153 : i32
      %mul3A_155 = arith.constant 80 : i32
      %mul3A_156 = arith.muli %add3A_154, %mul3A_155 : i32
      %dma_start3A_157 = tpu.memref_slice %arg7[%mul3A_156] : memref<10000xi32, #tpu.memory_space<vmem>> -> memref<80xi32, #tpu.memory_space<vmem>>
      %dma_start3A_158 = arith.constant 0 : i32
      %dma_start3A_159 = arith.constant 0 : i32
      %dma_start3A_160 = tpu.memref_slice %arg2[%dma_start3A_158, %dma_start3A_159] : memref<10000x128xf32, #tpu.memory_space<hbm>> -> memref<10000x128xf32, #tpu.memory_space<hbm>>
      tpu.enqueue_indirect_dma source(%dma_start3A_160 : memref<10000x128xf32, #tpu.memory_space<hbm>>) target(%arg11 : memref<80x128xf32, #tpu.memory_space<vmem>>) offsets(%dma_start3A_157 : memref<80xi32, #tpu.memory_space<vmem>>) semaphore(%arg15 : memref<!tpu.dma_semaphore, #tpu.memory_space<semaphore_mem>>)
      %add3A_161 = arith.constant 2 : i32
      %add3A_162 = arith.addi %add3A_139, %add3A_161 : i32
      %mul3A_163 = arith.constant 80 : i32
      %mul3A_164 = arith.muli %add3A_162, %mul3A_163 : i32
      %add3A_165 = arith.addi %mul3A_2, %mul3A_164 : i32
      %dma_start3A_166 = tpu.memref_slice %arg4[%add3A_165] : memref<320000xi32, #tpu.memory_space<hbm>> -> memref<80xi32, #tpu.memory_space<hbm>>
      %dma_start3A_167 = tpu.memref_slice %arg4[%add3A_165] : memref<320000xi32, #tpu.memory_space<hbm>> -> memref<80xi32, #tpu.memory_space<hbm>>
      tpu.enqueue_dma source(%dma_start3A_167 : memref<80xi32, #tpu.memory_space<hbm>>) target(%arg8 : memref<80xi32, #tpu.memory_space<vmem>>) target_semaphore(%arg21 : memref<!tpu.dma_semaphore, #tpu.memory_space<semaphore_mem>>)
      %add3A_168 = arith.constant 2 : i32
      %add3A_169 = arith.addi %mul3A_137, %add3A_168 : i32
      %dma_wait3A_170 = arith.constant 0 : i32
      %dma_wait3A_171 = tpu.memref_slice %arg7[%dma_wait3A_170] : memref<10000xi32, #tpu.memory_space<vmem>> -> memref<80xi32, #tpu.memory_space<vmem>>
      %dma_wait3A_172 = arith.constant 0 : i32
      %dma_wait3A_173 = arith.constant 0 : i32
      %dma_wait3A_174 = tpu.memref_slice %arg2[%dma_wait3A_172, %dma_wait3A_173] : memref<10000x128xf32, #tpu.memory_space<hbm>> -> memref<10000x128xf32, #tpu.memory_space<hbm>>
      tpu.wait_indirect_dma semaphore(%arg17 : memref<!tpu.dma_semaphore, #tpu.memory_space<semaphore_mem>>) src(%dma_wait3A_174 : memref<10000x128xf32, #tpu.memory_space<hbm>>) dst(%arg13 : memref<80x128xf32, #tpu.memory_space<vmem>>)
      %dma_wait3A_175 = tpu.memref_slice %arg4[%mul3A_2] : memref<320000xi32, #tpu.memory_space<hbm>> -> memref<80xi32, #tpu.memory_space<hbm>>
      %dma_wait3A_176 = tpu.memref_slice %arg4[%mul3A_2] : memref<320000xi32, #tpu.memory_space<hbm>> -> memref<80xi32, #tpu.memory_space<hbm>>
      tpu.wait_dma2 semaphore(%arg23 : memref<!tpu.dma_semaphore, #tpu.memory_space<semaphore_mem>>) src(%dma_wait3A_176 : memref<80xi32, #tpu.memory_space<hbm>>) dst(%arg10 : memref<80xi32, #tpu.memory_space<vmem>>)
      %dma_start3A_177 = arith.constant 0 : i32
      %dma_start3A_178 = arith.constant 0 : i32
      %dma_start3A_179 = tpu.memref_slice %arg14[%dma_start3A_177, %dma_start3A_178] : memref<10000x128xf32, #tpu.memory_space<vmem_shared>> -> memref<10000x128xf32, #tpu.memory_space<vmem_shared>>
      tpu.enqueue_indirect_dma source(%arg13 : memref<80x128xf32, #tpu.memory_space<vmem>>) target(%dma_start3A_179 : memref<10000x128xf32, #tpu.memory_space<vmem_shared>>) offsets(%arg10 : memref<80xi32, #tpu.memory_space<vmem>>) semaphore(%arg20 : memref<!tpu.dma_semaphore, #tpu.memory_space<semaphore_mem>>) {add = true}
      %dma_wait3A_180 = arith.constant 0 : i32
      %dma_wait3A_181 = arith.constant 0 : i32
      %dma_wait3A_182 = tpu.memref_slice %arg14[%dma_wait3A_180, %dma_wait3A_181] : memref<10000x128xf32, #tpu.memory_space<vmem_shared>> -> memref<10000x128xf32, #tpu.memory_space<vmem_shared>>
      tpu.wait_indirect_dma semaphore(%arg19 : memref<!tpu.dma_semaphore, #tpu.memory_space<semaphore_mem>>) src(%arg12 : memref<80x128xf32, #tpu.memory_space<vmem>>) dst(%dma_wait3A_182 : memref<10000x128xf32, #tpu.memory_space<vmem_shared>>)
      %add3A_183 = arith.constant 2 : i32
      %add3A_184 = arith.addi %add3A_169, %add3A_183 : i32
      %mul3A_185 = arith.constant 80 : i32
      %mul3A_186 = arith.muli %add3A_184, %mul3A_185 : i32
      %dma_start3A_187 = tpu.memref_slice %arg7[%mul3A_186] : memref<10000xi32, #tpu.memory_space<vmem>> -> memref<80xi32, #tpu.memory_space<vmem>>
      %dma_start3A_188 = arith.constant 0 : i32
      %dma_start3A_189 = arith.constant 0 : i32
      %dma_start3A_190 = tpu.memref_slice %arg2[%dma_start3A_188, %dma_start3A_189] : memref<10000x128xf32, #tpu.memory_space<hbm>> -> memref<10000x128xf32, #tpu.memory_space<hbm>>
      tpu.enqueue_indirect_dma source(%dma_start3A_190 : memref<10000x128xf32, #tpu.memory_space<hbm>>) target(%arg12 : memref<80x128xf32, #tpu.memory_space<vmem>>) offsets(%dma_start3A_187 : memref<80xi32, #tpu.memory_space<vmem>>) semaphore(%arg16 : memref<!tpu.dma_semaphore, #tpu.memory_space<semaphore_mem>>)
      %add3A_191 = arith.constant 2 : i32
      %add3A_192 = arith.addi %add3A_169, %add3A_191 : i32
      %mul3A_193 = arith.constant 80 : i32
      %mul3A_194 = arith.muli %add3A_192, %mul3A_193 : i32
      %add3A_195 = arith.addi %mul3A_2, %mul3A_194 : i32
      %dma_start3A_196 = tpu.memref_slice %arg4[%add3A_195] : memref<320000xi32, #tpu.memory_space<hbm>> -> memref<80xi32, #tpu.memory_space<hbm>>
      %dma_start3A_197 = tpu.memref_slice %arg4[%add3A_195] : memref<320000xi32, #tpu.memory_space<hbm>> -> memref<80xi32, #tpu.memory_space<hbm>>
      tpu.enqueue_dma source(%dma_start3A_197 : memref<80xi32, #tpu.memory_space<hbm>>) target(%arg9 : memref<80xi32, #tpu.memory_space<vmem>>) target_semaphore(%arg22 : memref<!tpu.dma_semaphore, #tpu.memory_space<semaphore_mem>>)
      %add3A_198 = arith.constant 3 : i32
      %add3A_199 = arith.addi %mul3A_137, %add3A_198 : i32
      %dma_wait3A_200 = arith.constant 0 : i32
      %dma_wait3A_201 = tpu.memref_slice %arg7[%dma_wait3A_200] : memref<10000xi32, #tpu.memory_space<vmem>> -> memref<80xi32, #tpu.memory_space<vmem>>
      %dma_wait3A_202 = arith.constant 0 : i32
      %dma_wait3A_203 = arith.constant 0 : i32
      %dma_wait3A_204 = tpu.memref_slice %arg2[%dma_wait3A_202, %dma_wait3A_203] : memref<10000x128xf32, #tpu.memory_space<hbm>> -> memref<10000x128xf32, #tpu.memory_space<hbm>>
      tpu.wait_indirect_dma semaphore(%arg15 : memref<!tpu.dma_semaphore, #tpu.memory_space<semaphore_mem>>) src(%dma_wait3A_204 : memref<10000x128xf32, #tpu.memory_space<hbm>>) dst(%arg11 : memref<80x128xf32, #tpu.memory_space<vmem>>)
      %dma_wait3A_205 = tpu.memref_slice %arg4[%mul3A_2] : memref<320000xi32, #tpu.memory_space<hbm>> -> memref<80xi32, #tpu.memory_space<hbm>>
      %dma_wait3A_206 = tpu.memref_slice %arg4[%mul3A_2] : memref<320000xi32, #tpu.memory_space<hbm>> -> memref<80xi32, #tpu.memory_space<hbm>>
      tpu.wait_dma2 semaphore(%arg21 : memref<!tpu.dma_semaphore, #tpu.memory_space<semaphore_mem>>) src(%dma_wait3A_206 : memref<80xi32, #tpu.memory_space<hbm>>) dst(%arg8 : memref<80xi32, #tpu.memory_space<vmem>>)
      %dma_start3A_207 = arith.constant 0 : i32
      %dma_start3A_208 = arith.constant 0 : i32
      %dma_start3A_209 = tpu.memref_slice %arg14[%dma_start3A_207, %dma_start3A_208] : memref<10000x128xf32, #tpu.memory_space<vmem_shared>> -> memref<10000x128xf32, #tpu.memory_space<vmem_shared>>
      tpu.enqueue_indirect_dma source(%arg11 : memref<80x128xf32, #tpu.memory_space<vmem>>) target(%dma_start3A_209 : memref<10000x128xf32, #tpu.memory_space<vmem_shared>>) offsets(%arg8 : memref<80xi32, #tpu.memory_space<vmem>>) semaphore(%arg18 : memref<!tpu.dma_semaphore, #tpu.memory_space<semaphore_mem>>) {add = true}
      %dma_wait3A_210 = arith.constant 0 : i32
      %dma_wait3A_211 = arith.constant 0 : i32
      %dma_wait3A_212 = tpu.memref_slice %arg14[%dma_wait3A_210, %dma_wait3A_211] : memref<10000x128xf32, #tpu.memory_space<vmem_shared>> -> memref<10000x128xf32, #tpu.memory_space<vmem_shared>>
      tpu.wait_indirect_dma semaphore(%arg20 : memref<!tpu.dma_semaphore, #tpu.memory_space<semaphore_mem>>) src(%arg13 : memref<80x128xf32, #tpu.memory_space<vmem>>) dst(%dma_wait3A_212 : memref<10000x128xf32, #tpu.memory_space<vmem_shared>>)
      %add3A_213 = arith.constant 2 : i32
      %add3A_214 = arith.addi %add3A_199, %add3A_213 : i32
      %mul3A_215 = arith.constant 80 : i32
      %mul3A_216 = arith.muli %add3A_214, %mul3A_215 : i32
      %dma_start3A_217 = tpu.memref_slice %arg7[%mul3A_216] : memref<10000xi32, #tpu.memory_space<vmem>> -> memref<80xi32, #tpu.memory_space<vmem>>
      %dma_start3A_218 = arith.constant 0 : i32
      %dma_start3A_219 = arith.constant 0 : i32
      %dma_start3A_220 = tpu.memref_slice %arg2[%dma_start3A_218, %dma_start3A_219] : memref<10000x128xf32, #tpu.memory_space<hbm>> -> memref<10000x128xf32, #tpu.memory_space<hbm>>
      tpu.enqueue_indirect_dma source(%dma_start3A_220 : memref<10000x128xf32, #tpu.memory_space<hbm>>) target(%arg13 : memref<80x128xf32, #tpu.memory_space<vmem>>) offsets(%dma_start3A_217 : memref<80xi32, #tpu.memory_space<vmem>>) semaphore(%arg17 : memref<!tpu.dma_semaphore, #tpu.memory_space<semaphore_mem>>)
      %add3A_221 = arith.constant 2 : i32
      %add3A_222 = arith.addi %add3A_199, %add3A_221 : i32
      %mul3A_223 = arith.constant 80 : i32
      %mul3A_224 = arith.muli %add3A_222, %mul3A_223 : i32
      %add3A_225 = arith.addi %mul3A_2, %mul3A_224 : i32
      %dma_start3A_226 = tpu.memref_slice %arg4[%add3A_225] : memref<320000xi32, #tpu.memory_space<hbm>> -> memref<80xi32, #tpu.memory_space<hbm>>
      %dma_start3A_227 = tpu.memref_slice %arg4[%add3A_225] : memref<320000xi32, #tpu.memory_space<hbm>> -> memref<80xi32, #tpu.memory_space<hbm>>
      tpu.enqueue_dma source(%dma_start3A_227 : memref<80xi32, #tpu.memory_space<hbm>>) target(%arg10 : memref<80xi32, #tpu.memory_space<vmem>>) target_semaphore(%arg23 : memref<!tpu.dma_semaphore, #tpu.memory_space<semaphore_mem>>)
      %scan3A_228 = arith.constant 0 : i32
      scf.yield %scan3A_228 : i32
    }
    %scan3A_49 = arith.constant 40 : i32
    %dma_wait3A_50 = arith.constant 0 : i32
    %dma_wait3A_51 = tpu.memref_slice %arg7[%dma_wait3A_50] : memref<10000xi32, #tpu.memory_space<vmem>> -> memref<80xi32, #tpu.memory_space<vmem>>
    %dma_wait3A_52 = arith.constant 0 : i32
    %dma_wait3A_53 = arith.constant 0 : i32
    %dma_wait3A_54 = tpu.memref_slice %arg2[%dma_wait3A_52, %dma_wait3A_53] : memref<10000x128xf32, #tpu.memory_space<hbm>> -> memref<10000x128xf32, #tpu.memory_space<hbm>>
    tpu.wait_indirect_dma semaphore(%arg16 : memref<!tpu.dma_semaphore, #tpu.memory_space<semaphore_mem>>) src(%dma_wait3A_54 : memref<10000x128xf32, #tpu.memory_space<hbm>>) dst(%arg12 : memref<80x128xf32, #tpu.memory_space<vmem>>)
    %dma_wait3A_55 = tpu.memref_slice %arg4[%mul3A_2] : memref<320000xi32, #tpu.memory_space<hbm>> -> memref<80xi32, #tpu.memory_space<hbm>>
    %dma_wait3A_56 = tpu.memref_slice %arg4[%mul3A_2] : memref<320000xi32, #tpu.memory_space<hbm>> -> memref<80xi32, #tpu.memory_space<hbm>>
    tpu.wait_dma2 semaphore(%arg22 : memref<!tpu.dma_semaphore, #tpu.memory_space<semaphore_mem>>) src(%dma_wait3A_56 : memref<80xi32, #tpu.memory_space<hbm>>) dst(%arg9 : memref<80xi32, #tpu.memory_space<vmem>>)
    %dma_start3A_57 = arith.constant 0 : i32
    %dma_start3A_58 = arith.constant 0 : i32
    %dma_start3A_59 = tpu.memref_slice %arg14[%dma_start3A_57, %dma_start3A_58] : memref<10000x128xf32, #tpu.memory_space<vmem_shared>> -> memref<10000x128xf32, #tpu.memory_space<vmem_shared>>
    tpu.enqueue_indirect_dma source(%arg12 : memref<80x128xf32, #tpu.memory_space<vmem>>) target(%dma_start3A_59 : memref<10000x128xf32, #tpu.memory_space<vmem_shared>>) offsets(%arg9 : memref<80xi32, #tpu.memory_space<vmem>>) semaphore(%arg19 : memref<!tpu.dma_semaphore, #tpu.memory_space<semaphore_mem>>) {add = true}
    %dma_wait3A_60 = arith.constant 0 : i32
    %dma_wait3A_61 = arith.constant 0 : i32
    %dma_wait3A_62 = tpu.memref_slice %arg14[%dma_wait3A_60, %dma_wait3A_61] : memref<10000x128xf32, #tpu.memory_space<vmem_shared>> -> memref<10000x128xf32, #tpu.memory_space<vmem_shared>>
    tpu.wait_indirect_dma semaphore(%arg18 : memref<!tpu.dma_semaphore, #tpu.memory_space<semaphore_mem>>) src(%arg11 : memref<80x128xf32, #tpu.memory_space<vmem>>) dst(%dma_wait3A_62 : memref<10000x128xf32, #tpu.memory_space<vmem_shared>>)
    %dma_start3A_63 = arith.constant 9840 : i32
    %dma_start3A_64 = tpu.memref_slice %arg7[%dma_start3A_63] : memref<10000xi32, #tpu.memory_space<vmem>> -> memref<80xi32, #tpu.memory_space<vmem>>
    %dma_start3A_65 = arith.constant 0 : i32
    %dma_start3A_66 = arith.constant 0 : i32
    %dma_start3A_67 = tpu.memref_slice %arg2[%dma_start3A_65, %dma_start3A_66] : memref<10000x128xf32, #tpu.memory_space<hbm>> -> memref<10000x128xf32, #tpu.memory_space<hbm>>
    tpu.enqueue_indirect_dma source(%dma_start3A_67 : memref<10000x128xf32, #tpu.memory_space<hbm>>) target(%arg11 : memref<80x128xf32, #tpu.memory_space<vmem>>) offsets(%dma_start3A_64 : memref<80xi32, #tpu.memory_space<vmem>>) semaphore(%arg15 : memref<!tpu.dma_semaphore, #tpu.memory_space<semaphore_mem>>)
    %add3A_68 = arith.constant 9840 : i32
    %add3A_69 = arith.addi %mul3A_2, %add3A_68 : i32
    %dma_start3A_70 = tpu.memref_slice %arg4[%add3A_69] : memref<320000xi32, #tpu.memory_space<hbm>> -> memref<80xi32, #tpu.memory_space<hbm>>
    %dma_start3A_71 = tpu.memref_slice %arg4[%add3A_69] : memref<320000xi32, #tpu.memory_space<hbm>> -> memref<80xi32, #tpu.memory_space<hbm>>
    tpu.enqueue_dma source(%dma_start3A_71 : memref<80xi32, #tpu.memory_space<hbm>>) target(%arg8 : memref<80xi32, #tpu.memory_space<vmem>>) target_semaphore(%arg21 : memref<!tpu.dma_semaphore, #tpu.memory_space<semaphore_mem>>)
    %dma_wait3A_72 = arith.constant 0 : i32
    %dma_wait3A_73 = tpu.memref_slice %arg7[%dma_wait3A_72] : memref<10000xi32, #tpu.memory_space<vmem>> -> memref<80xi32, #tpu.memory_space<vmem>>
    %dma_wait3A_74 = arith.constant 0 : i32
    %dma_wait3A_75 = arith.constant 0 : i32
    %dma_wait3A_76 = tpu.memref_slice %arg2[%dma_wait3A_74, %dma_wait3A_75] : memref<10000x128xf32, #tpu.memory_space<hbm>> -> memref<10000x128xf32, #tpu.memory_space<hbm>>
    tpu.wait_indirect_dma semaphore(%arg17 : memref<!tpu.dma_semaphore, #tpu.memory_space<semaphore_mem>>) src(%dma_wait3A_76 : memref<10000x128xf32, #tpu.memory_space<hbm>>) dst(%arg13 : memref<80x128xf32, #tpu.memory_space<vmem>>)
    %dma_wait3A_77 = tpu.memref_slice %arg4[%mul3A_2] : memref<320000xi32, #tpu.memory_space<hbm>> -> memref<80xi32, #tpu.memory_space<hbm>>
    %dma_wait3A_78 = tpu.memref_slice %arg4[%mul3A_2] : memref<320000xi32, #tpu.memory_space<hbm>> -> memref<80xi32, #tpu.memory_space<hbm>>
    tpu.wait_dma2 semaphore(%arg23 : memref<!tpu.dma_semaphore, #tpu.memory_space<semaphore_mem>>) src(%dma_wait3A_78 : memref<80xi32, #tpu.memory_space<hbm>>) dst(%arg10 : memref<80xi32, #tpu.memory_space<vmem>>)
    %dma_start3A_79 = arith.constant 0 : i32
    %dma_start3A_80 = arith.constant 0 : i32
    %dma_start3A_81 = tpu.memref_slice %arg14[%dma_start3A_79, %dma_start3A_80] : memref<10000x128xf32, #tpu.memory_space<vmem_shared>> -> memref<10000x128xf32, #tpu.memory_space<vmem_shared>>
    tpu.enqueue_indirect_dma source(%arg13 : memref<80x128xf32, #tpu.memory_space<vmem>>) target(%dma_start3A_81 : memref<10000x128xf32, #tpu.memory_space<vmem_shared>>) offsets(%arg10 : memref<80xi32, #tpu.memory_space<vmem>>) semaphore(%arg20 : memref<!tpu.dma_semaphore, #tpu.memory_space<semaphore_mem>>) {add = true}
    %dma_wait3A_82 = arith.constant 0 : i32
    %dma_wait3A_83 = arith.constant 0 : i32
    %dma_wait3A_84 = tpu.memref_slice %arg14[%dma_wait3A_82, %dma_wait3A_83] : memref<10000x128xf32, #tpu.memory_space<vmem_shared>> -> memref<10000x128xf32, #tpu.memory_space<vmem_shared>>
    tpu.wait_indirect_dma semaphore(%arg19 : memref<!tpu.dma_semaphore, #tpu.memory_space<semaphore_mem>>) src(%arg12 : memref<80x128xf32, #tpu.memory_space<vmem>>) dst(%dma_wait3A_84 : memref<10000x128xf32, #tpu.memory_space<vmem_shared>>)
    %dma_start3A_85 = arith.constant 9920 : i32
    %dma_start3A_86 = tpu.memref_slice %arg7[%dma_start3A_85] : memref<10000xi32, #tpu.memory_space<vmem>> -> memref<80xi32, #tpu.memory_space<vmem>>
    %dma_start3A_87 = arith.constant 0 : i32
    %dma_start3A_88 = arith.constant 0 : i32
    %dma_start3A_89 = tpu.memref_slice %arg2[%dma_start3A_87, %dma_start3A_88] : memref<10000x128xf32, #tpu.memory_space<hbm>> -> memref<10000x128xf32, #tpu.memory_space<hbm>>
    tpu.enqueue_indirect_dma source(%dma_start3A_89 : memref<10000x128xf32, #tpu.memory_space<hbm>>) target(%arg12 : memref<80x128xf32, #tpu.memory_space<vmem>>) offsets(%dma_start3A_86 : memref<80xi32, #tpu.memory_space<vmem>>) semaphore(%arg16 : memref<!tpu.dma_semaphore, #tpu.memory_space<semaphore_mem>>)
    %add3A_90 = arith.constant 9920 : i32
    %add3A_91 = arith.addi %mul3A_2, %add3A_90 : i32
    %dma_start3A_92 = tpu.memref_slice %arg4[%add3A_91] : memref<320000xi32, #tpu.memory_space<hbm>> -> memref<80xi32, #tpu.memory_space<hbm>>
    %dma_start3A_93 = tpu.memref_slice %arg4[%add3A_91] : memref<320000xi32, #tpu.memory_space<hbm>> -> memref<80xi32, #tpu.memory_space<hbm>>
    tpu.enqueue_dma source(%dma_start3A_93 : memref<80xi32, #tpu.memory_space<hbm>>) target(%arg9 : memref<80xi32, #tpu.memory_space<vmem>>) target_semaphore(%arg22 : memref<!tpu.dma_semaphore, #tpu.memory_space<semaphore_mem>>)
    %dma_wait3A_94 = arith.constant 0 : i32
    %dma_wait3A_95 = tpu.memref_slice %arg7[%dma_wait3A_94] : memref<10000xi32, #tpu.memory_space<vmem>> -> memref<80xi32, #tpu.memory_space<vmem>>
    %dma_wait3A_96 = arith.constant 0 : i32
    %dma_wait3A_97 = arith.constant 0 : i32
    %dma_wait3A_98 = tpu.memref_slice %arg2[%dma_wait3A_96, %dma_wait3A_97] : memref<10000x128xf32, #tpu.memory_space<hbm>> -> memref<10000x128xf32, #tpu.memory_space<hbm>>
    tpu.wait_indirect_dma semaphore(%arg15 : memref<!tpu.dma_semaphore, #tpu.memory_space<semaphore_mem>>) src(%dma_wait3A_98 : memref<10000x128xf32, #tpu.memory_space<hbm>>) dst(%arg11 : memref<80x128xf32, #tpu.memory_space<vmem>>)
    %dma_wait3A_99 = tpu.memref_slice %arg4[%mul3A_2] : memref<320000xi32, #tpu.memory_space<hbm>> -> memref<80xi32, #tpu.memory_space<hbm>>
    %dma_wait3A_100 = tpu.memref_slice %arg4[%mul3A_2] : memref<320000xi32, #tpu.memory_space<hbm>> -> memref<80xi32, #tpu.memory_space<hbm>>
    tpu.wait_dma2 semaphore(%arg21 : memref<!tpu.dma_semaphore, #tpu.memory_space<semaphore_mem>>) src(%dma_wait3A_100 : memref<80xi32, #tpu.memory_space<hbm>>) dst(%arg8 : memref<80xi32, #tpu.memory_space<vmem>>)
    %dma_start3A_101 = arith.constant 0 : i32
    %dma_start3A_102 = arith.constant 0 : i32
    %dma_start3A_103 = tpu.memref_slice %arg14[%dma_start3A_101, %dma_start3A_102] : memref<10000x128xf32, #tpu.memory_space<vmem_shared>> -> memref<10000x128xf32, #tpu.memory_space<vmem_shared>>
    tpu.enqueue_indirect_dma source(%arg11 : memref<80x128xf32, #tpu.memory_space<vmem>>) target(%dma_start3A_103 : memref<10000x128xf32, #tpu.memory_space<vmem_shared>>) offsets(%arg8 : memref<80xi32, #tpu.memory_space<vmem>>) semaphore(%arg18 : memref<!tpu.dma_semaphore, #tpu.memory_space<semaphore_mem>>) {add = true}
    %dma_wait3A_104 = arith.constant 0 : i32
    %dma_wait3A_105 = arith.constant 0 : i32
    %dma_wait3A_106 = tpu.memref_slice %arg14[%dma_wait3A_104, %dma_wait3A_105] : memref<10000x128xf32, #tpu.memory_space<vmem_shared>> -> memref<10000x128xf32, #tpu.memory_space<vmem_shared>>
    tpu.wait_indirect_dma semaphore(%arg20 : memref<!tpu.dma_semaphore, #tpu.memory_space<semaphore_mem>>) src(%arg13 : memref<80x128xf32, #tpu.memory_space<vmem>>) dst(%dma_wait3A_106 : memref<10000x128xf32, #tpu.memory_space<vmem_shared>>)
    %dma_wait3A_107 = arith.constant 0 : i32
    %dma_wait3A_108 = tpu.memref_slice %arg7[%dma_wait3A_107] : memref<10000xi32, #tpu.memory_space<vmem>> -> memref<80xi32, #tpu.memory_space<vmem>>
    %dma_wait3A_109 = arith.constant 0 : i32
    %dma_wait3A_110 = arith.constant 0 : i32
    %dma_wait3A_111 = tpu.memref_slice %arg2[%dma_wait3A_109, %dma_wait3A_110] : memref<10000x128xf32, #tpu.memory_space<hbm>> -> memref<10000x128xf32, #tpu.memory_space<hbm>>
    tpu.wait_indirect_dma semaphore(%arg16 : memref<!tpu.dma_semaphore, #tpu.memory_space<semaphore_mem>>) src(%dma_wait3A_111 : memref<10000x128xf32, #tpu.memory_space<hbm>>) dst(%arg12 : memref<80x128xf32, #tpu.memory_space<vmem>>)
    %dma_wait3A_112 = tpu.memref_slice %arg4[%mul3A_2] : memref<320000xi32, #tpu.memory_space<hbm>> -> memref<80xi32, #tpu.memory_space<hbm>>
    %dma_wait3A_113 = tpu.memref_slice %arg4[%mul3A_2] : memref<320000xi32, #tpu.memory_space<hbm>> -> memref<80xi32, #tpu.memory_space<hbm>>
    tpu.wait_dma2 semaphore(%arg22 : memref<!tpu.dma_semaphore, #tpu.memory_space<semaphore_mem>>) src(%dma_wait3A_113 : memref<80xi32, #tpu.memory_space<hbm>>) dst(%arg9 : memref<80xi32, #tpu.memory_space<vmem>>)
    %dma_start3A_114 = arith.constant 0 : i32
    %dma_start3A_115 = arith.constant 0 : i32
    %dma_start3A_116 = tpu.memref_slice %arg14[%dma_start3A_114, %dma_start3A_115] : memref<10000x128xf32, #tpu.memory_space<vmem_shared>> -> memref<10000x128xf32, #tpu.memory_space<vmem_shared>>
    tpu.enqueue_indirect_dma source(%arg12 : memref<80x128xf32, #tpu.memory_space<vmem>>) target(%dma_start3A_116 : memref<10000x128xf32, #tpu.memory_space<vmem_shared>>) offsets(%arg9 : memref<80xi32, #tpu.memory_space<vmem>>) semaphore(%arg19 : memref<!tpu.dma_semaphore, #tpu.memory_space<semaphore_mem>>) {add = true}
    %dma_wait3A_117 = arith.constant 0 : i32
    %dma_wait3A_118 = arith.constant 0 : i32
    %dma_wait3A_119 = tpu.memref_slice %arg14[%dma_wait3A_117, %dma_wait3A_118] : memref<10000x128xf32, #tpu.memory_space<vmem_shared>> -> memref<10000x128xf32, #tpu.memory_space<vmem_shared>>
    tpu.wait_indirect_dma semaphore(%arg18 : memref<!tpu.dma_semaphore, #tpu.memory_space<semaphore_mem>>) src(%arg11 : memref<80x128xf32, #tpu.memory_space<vmem>>) dst(%dma_wait3A_119 : memref<10000x128xf32, #tpu.memory_space<vmem_shared>>)
    %dma_wait3A_120 = arith.constant 0 : i32
    %dma_wait3A_121 = arith.constant 0 : i32
    %dma_wait3A_122 = tpu.memref_slice %arg14[%dma_wait3A_120, %dma_wait3A_121] : memref<10000x128xf32, #tpu.memory_space<vmem_shared>> -> memref<10000x128xf32, #tpu.memory_space<vmem_shared>>
    tpu.wait_indirect_dma semaphore(%arg19 : memref<!tpu.dma_semaphore, #tpu.memory_space<semaphore_mem>>) src(%arg12 : memref<80x128xf32, #tpu.memory_space<vmem>>) dst(%dma_wait3A_122 : memref<10000x128xf32, #tpu.memory_space<vmem_shared>>)
    %barrier3A_123 = arith.constant 0 : index
    tpu.barrier barrier_id(%barrier3A_123)
    %lt3A_124 = arith.constant 15 : i32
    %lt3A_125 = arith.cmpi slt, %arg1, %lt3A_124 : i32
    %convert_element_type3A_126 = arith.extui %lt3A_125 : i1 to i32
    %cond3A_127 = arith.constant 0 : i32
    %cond3A_128 = arith.cmpi ne, %convert_element_type3A_126, %cond3A_127 : i32
    scf.if %cond3A_128 {
      %mul3A_134 = arith.constant 632 : i32
      %mul3A_135 = arith.muli %arg1, %mul3A_134 : i32
      %mul3A_136 = arith.constant 632 : i32
      %mul3A_137 = arith.muli %arg1, %mul3A_136 : i32
      "tpu.region"() ({
        %run_scoped3A = tpu.sem_alloc : memref<!tpu.dma_semaphore, #tpu.memory_space<semaphore_mem>>
        %dma_start3A_138 = arith.constant 0 : i32
        %dma_start3A_139 = tpu.memref_slice %arg6[%arg0, %mul3A_137, %dma_start3A_138] : memref<2x10000x128xf32, #tpu.memory_space<hbm>> -> memref<1x632x128xf32, #tpu.memory_space<hbm>>
        %dma_start3A_140 = tpu.memref_squeeze %dma_start3A_139 : memref<1x632x128xf32, #tpu.memory_space<hbm>> -> memref<632x128xf32, #tpu.memory_space<hbm>>
        %dma_start3A_141 = arith.constant 0 : i32
        %dma_start3A_142 = tpu.memref_slice %arg14[%mul3A_135, %dma_start3A_141] : memref<10000x128xf32, #tpu.memory_space<vmem_shared>> -> memref<632x128xf32, #tpu.memory_space<vmem_shared>>
        tpu.enqueue_dma source(%dma_start3A_142 : memref<632x128xf32, #tpu.memory_space<vmem_shared>>) target(%dma_start3A_140 : memref<632x128xf32, #tpu.memory_space<hbm>>) target_semaphore(%run_scoped3A : memref<!tpu.dma_semaphore, #tpu.memory_space<semaphore_mem>>)
        %dma_wait3A_143 = arith.constant 0 : i32
        %dma_wait3A_144 = tpu.memref_slice %arg6[%arg0, %mul3A_137, %dma_wait3A_143] : memref<2x10000x128xf32, #tpu.memory_space<hbm>> -> memref<1x632x128xf32, #tpu.memory_space<hbm>>
        %dma_wait3A_145 = tpu.memref_squeeze %dma_wait3A_144 : memref<1x632x128xf32, #tpu.memory_space<hbm>> -> memref<632x128xf32, #tpu.memory_space<hbm>>
        %dma_wait3A_146 = arith.constant 0 : i32
        %dma_wait3A_147 = tpu.memref_slice %arg14[%mul3A_135, %dma_wait3A_146] : memref<10000x128xf32, #tpu.memory_space<vmem_shared>> -> memref<632x128xf32, #tpu.memory_space<vmem_shared>>
        tpu.wait_dma2 semaphore(%run_scoped3A : memref<!tpu.dma_semaphore, #tpu.memory_space<semaphore_mem>>) src(%dma_wait3A_147 : memref<632x128xf32, #tpu.memory_space<vmem_shared>>) dst(%dma_wait3A_145 : memref<632x128xf32, #tpu.memory_space<hbm>>)
        tpu.yield
      }) : () -> ()
    } else {
    }
    %eq3A_129 = arith.constant 15 : i32
    %eq3A_130 = arith.cmpi eq, %arg1, %eq3A_129 : i32
    %convert_element_type3A_131 = arith.extui %eq3A_130 : i1 to i32
    %cond3A_132 = arith.constant 0 : i32
    %cond3A_133 = arith.cmpi ne, %convert_element_type3A_131, %cond3A_132 : i32
    scf.if %cond3A_133 {
      "tpu.region"() ({
        %run_scoped3A = tpu.sem_alloc : memref<!tpu.dma_semaphore, #tpu.memory_space<semaphore_mem>>
        %dma_start3A_134 = arith.constant 9480 : i32
        %dma_start3A_135 = arith.constant 0 : i32
        %dma_start3A_136 = tpu.memref_slice %arg6[%arg0, %dma_start3A_134, %dma_start3A_135] : memref<2x10000x128xf32, #tpu.memory_space<hbm>> -> memref<1x520x128xf32, #tpu.memory_space<hbm>>
        %dma_start3A_137 = tpu.memref_squeeze %dma_start3A_136 : memref<1x520x128xf32, #tpu.memory_space<hbm>> -> memref<520x128xf32, #tpu.memory_space<hbm>>
        %dma_start3A_138 = arith.constant 9480 : i32
        %dma_start3A_139 = arith.constant 0 : i32
        %dma_start3A_140 = tpu.memref_slice %arg14[%dma_start3A_138, %dma_start3A_139] : memref<10000x128xf32, #tpu.memory_space<vmem_shared>> -> memref<520x128xf32, #tpu.memory_space<vmem_shared>>
        tpu.enqueue_dma source(%dma_start3A_140 : memref<520x128xf32, #tpu.memory_space<vmem_shared>>) target(%dma_start3A_137 : memref<520x128xf32, #tpu.memory_space<hbm>>) target_semaphore(%run_scoped3A : memref<!tpu.dma_semaphore, #tpu.memory_space<semaphore_mem>>)
        %dma_wait3A_141 = arith.constant 9480 : i32
        %dma_wait3A_142 = arith.constant 0 : i32
        %dma_wait3A_143 = tpu.memref_slice %arg6[%arg0, %dma_wait3A_141, %dma_wait3A_142] : memref<2x10000x128xf32, #tpu.memory_space<hbm>> -> memref<1x520x128xf32, #tpu.memory_space<hbm>>
        %dma_wait3A_144 = tpu.memref_squeeze %dma_wait3A_143 : memref<1x520x128xf32, #tpu.memory_space<hbm>> -> memref<520x128xf32, #tpu.memory_space<hbm>>
        %dma_wait3A_145 = arith.constant 9480 : i32
        %dma_wait3A_146 = arith.constant 0 : i32
        %dma_wait3A_147 = tpu.memref_slice %arg14[%dma_wait3A_145, %dma_wait3A_146] : memref<10000x128xf32, #tpu.memory_space<vmem_shared>> -> memref<520x128xf32, #tpu.memory_space<vmem_shared>>
        tpu.wait_dma2 semaphore(%run_scoped3A : memref<!tpu.dma_semaphore, #tpu.memory_space<semaphore_mem>>) src(%dma_wait3A_147 : memref<520x128xf32, #tpu.memory_space<vmem_shared>>) dst(%dma_wait3A_144 : memref<520x128xf32, #tpu.memory_space<hbm>>)
        tpu.yield
      }) : () -> ()
    } else {
    }
    return
  }
}

#map = affine_map<(d0, d1) -> (0)>
#map1 = affine_map<(d0, d1) -> (0, 0)>
module attributes {stable_mosaic.version = 14 : i64} {
  func.func @_deg_sc(%arg0: i32, %arg1: i32, %arg2: memref<320000xi32, #tpu.memory_space<hbm>>, %arg3: memref<32x10240xf32, #tpu.memory_space<hbm>>, %arg4: memref<10000xi32, #tpu.memory_space<vmem>>, %arg5: memref<10240xf32, #tpu.memory_space<vmem>>) attributes {dimension_semantics = [#tpu.dimension_semantics<core_parallel>, #tpu.dimension_semantics<subcore_parallel>], iteration_bounds = array<i64: 2, 16>, scalar_prefetch = 0 : i64, scratch_operands = 2 : i64, tpu.core_type = #tpu.core_type<sc_vector_subcore>, window_params = [{transform_indices = #map}, {transform_indices = #map1}]} {
    %mul3A = arith.constant 16 : i32
    %mul3A_0 = arith.muli %arg0, %mul3A : i32
    %add3A = arith.addi %mul3A_0, %arg1 : i32
    %mul3A_1 = arith.constant 10000 : i32
    %mul3A_2 = arith.muli %add3A, %mul3A_1 : i32
    "tpu.region"() ({
      %run_scoped3A = tpu.sem_alloc : memref<!tpu.dma_semaphore, #tpu.memory_space<semaphore_mem>>
      %dma_start3A = tpu.memref_slice %arg2[%mul3A_2] : memref<320000xi32, #tpu.memory_space<hbm>> -> memref<10000xi32, #tpu.memory_space<hbm>>
      %dma_start3A_19 = tpu.memref_slice %arg2[%mul3A_2] : memref<320000xi32, #tpu.memory_space<hbm>> -> memref<10000xi32, #tpu.memory_space<hbm>>
      tpu.enqueue_dma source(%dma_start3A_19 : memref<10000xi32, #tpu.memory_space<hbm>>) target(%arg4 : memref<10000xi32, #tpu.memory_space<vmem>>) target_semaphore(%run_scoped3A : memref<!tpu.dma_semaphore, #tpu.memory_space<semaphore_mem>>)
      %dma_wait3A = tpu.memref_slice %arg2[%mul3A_2] : memref<320000xi32, #tpu.memory_space<hbm>> -> memref<10000xi32, #tpu.memory_space<hbm>>
      %dma_wait3A_20 = tpu.memref_slice %arg2[%mul3A_2] : memref<320000xi32, #tpu.memory_space<hbm>> -> memref<10000xi32, #tpu.memory_space<hbm>>
      tpu.wait_dma2 semaphore(%run_scoped3A : memref<!tpu.dma_semaphore, #tpu.memory_space<semaphore_mem>>) src(%dma_wait3A_20 : memref<10000xi32, #tpu.memory_space<hbm>>) dst(%arg4 : memref<10000xi32, #tpu.memory_space<vmem>>)
      tpu.yield
    }) : () -> ()
    %broadcast_in_dim3A = arith.constant 0.000000e+00 : f32
    %broadcast_in_dim3A_3 = vector.broadcast %broadcast_in_dim3A : f32 to vector<16xf32>
    %scan3A = arith.constant 0 : i32
    %scan3A_4 = arith.constant 0 : i32
    %scan3A_5 = arith.constant 640 : i32
    %scan3A_6 = arith.addi %scan3A_4, %scan3A_5 : i32
    %scan3A_7 = arith.constant 1 : i32
    %scan3A_8 = scf.for %scan3A_19 = %scan3A_4 to %scan3A_6 step %scan3A_7 iter_args(%scan3A_20 = %scan3A) -> (i32)  : i32 {
      %mul3A_21 = arith.constant 16 : i32
      %mul3A_22 = arith.muli %scan3A_19, %mul3A_21 : i32
      %swap3A = arith.index_cast %mul3A_22 : i32 to index
      %swap3A_23 = tpu.vector_load %arg5[%swap3A] {strides = array<i32>} : memref<10240xf32, #tpu.memory_space<vmem>>, vector<16xf32>,
      tpu.vector_store %arg5[%swap3A], %broadcast_in_dim3A_3 {strides = array<i32>} : memref<10240xf32, #tpu.memory_space<vmem>>, vector<16xf32>,
      %scan3A_24 = arith.constant 0 : i32
      scf.yield %scan3A_24 : i32
    }
    %scan3A_9 = arith.constant 640 : i32
    %broadcast_in_dim3A_10 = arith.constant 1.000000e+00 : f32
    %broadcast_in_dim3A_11 = vector.broadcast %broadcast_in_dim3A_10 : f32 to vector<16xf32>
    %scan3A_12 = arith.constant 0 : i32
    %scan3A_13 = arith.constant 0 : i32
    %scan3A_14 = arith.constant 625 : i32
    %scan3A_15 = arith.addi %scan3A_13, %scan3A_14 : i32
    %scan3A_16 = arith.constant 1 : i32
    %scan3A_17 = scf.for %scan3A_19 = %scan3A_13 to %scan3A_15 step %scan3A_16 iter_args(%scan3A_20 = %scan3A_12) -> (i32)  : i32 {
      %mul3A_21 = arith.constant 16 : i32
      %mul3A_22 = arith.muli %scan3A_19, %mul3A_21 : i32
      %get3A = arith.index_cast %mul3A_22 : i32 to index
      %get3A_23 = tpu.vector_load %arg4[%get3A] {strides = array<i32>} : memref<10000xi32, #tpu.memory_space<vmem>>, vector<16xi32>,
      tpu.vector_store_idx %arg5[%get3A_23], %broadcast_in_dim3A_11 {add = true} : memref<10240xf32, #tpu.memory_space<vmem>>[vector<16xi32>], vector<16xf32>,
      %scan3A_24 = arith.constant 0 : i32
      scf.yield %scan3A_24 : i32
    }
    %scan3A_18 = arith.constant 625 : i32
    "tpu.region"() ({
      %run_scoped3A = tpu.sem_alloc : memref<!tpu.dma_semaphore, #tpu.memory_space<semaphore_mem>>
      %dma_start3A = arith.constant 0 : i32
      %dma_start3A_19 = tpu.memref_slice %arg3[%add3A, %dma_start3A] : memref<32x10240xf32, #tpu.memory_space<hbm>> -> memref<1x10240xf32, #tpu.memory_space<hbm>>
      %dma_start3A_20 = tpu.memref_squeeze %dma_start3A_19 : memref<1x10240xf32, #tpu.memory_space<hbm>> -> memref<10240xf32, #tpu.memory_space<hbm>>
      %dma_start3A_21 = arith.constant 0 : i32
      %dma_start3A_22 = tpu.memref_slice %arg3[%add3A, %dma_start3A_21] : memref<32x10240xf32, #tpu.memory_space<hbm>> -> memref<1x10240xf32, #tpu.memory_space<hbm>>
      %dma_start3A_23 = tpu.memref_squeeze %dma_start3A_22 : memref<1x10240xf32, #tpu.memory_space<hbm>> -> memref<10240xf32, #tpu.memory_space<hbm>>
      tpu.enqueue_dma source(%arg5 : memref<10240xf32, #tpu.memory_space<vmem>>) target(%dma_start3A_23 : memref<10240xf32, #tpu.memory_space<hbm>>) target_semaphore(%run_scoped3A : memref<!tpu.dma_semaphore, #tpu.memory_space<semaphore_mem>>)
      %dma_wait3A = arith.constant 0 : i32
      %dma_wait3A_24 = tpu.memref_slice %arg3[%add3A, %dma_wait3A] : memref<32x10240xf32, #tpu.memory_space<hbm>> -> memref<1x10240xf32, #tpu.memory_space<hbm>>
      %dma_wait3A_25 = tpu.memref_squeeze %dma_wait3A_24 : memref<1x10240xf32, #tpu.memory_space<hbm>> -> memref<10240xf32, #tpu.memory_space<hbm>>
      %dma_wait3A_26 = arith.constant 0 : i32
      %dma_wait3A_27 = tpu.memref_slice %arg3[%add3A, %dma_wait3A_26] : memref<32x10240xf32, #tpu.memory_space<hbm>> -> memref<1x10240xf32, #tpu.memory_space<hbm>>
      %dma_wait3A_28 = tpu.memref_squeeze %dma_wait3A_27 : memref<1x10240xf32, #tpu.memory_space<hbm>> -> memref<10240xf32, #tpu.memory_space<hbm>>
      tpu.wait_dma2 semaphore(%run_scoped3A : memref<!tpu.dma_semaphore, #tpu.memory_space<semaphore_mem>>) src(%arg5 : memref<10240xf32, #tpu.memory_space<vmem>>) dst(%dma_wait3A_28 : memref<10240xf32, #tpu.memory_space<hbm>>)
      tpu.yield
    }) : () -> ()
    return
  }
}

module attributes {stable_mosaic.version = 14 : i64} {
  func.func @_dense1(%arg0: i32, %arg1: memref<5000x128xf32, #tpu.memory_space<vmem>>, %arg2: memref<128x128xf32, #tpu.memory_space<vmem>>, %arg3: memref<5000x32xf32, #tpu.memory_space<vmem>>, %arg4: memref<5000x128xf32, #tpu.memory_space<vmem>>, %arg5: memref<5000x1xf32, #tpu.memory_space<vmem>>, %arg6: memref<5000x1xf32, #tpu.memory_space<vmem>>) attributes {dimension_semantics = [#tpu.dimension_semantics<arbitrary>], iteration_bounds = array<i64: 2>, scalar_prefetch = 0 : i64, scratch_operands = 0 : i64, tpu.core_type = #tpu.core_type<tc>, window_params = [{transform_indices = @transform_0, window_bounds = array<i64: 5000, 128>}, {pipeline_mode = #tpu.pipeline_mode<synchronous>, transform_indices = @transform_1, window_bounds = array<i64: 128, 128>}, {transform_indices = @transform_2, window_bounds = array<i64: 5000, 32>}, {transform_indices = @transform_3, window_bounds = array<i64: 5000, 128>}, {transform_indices = @transform_4, window_bounds = array<i64: 5000, 1>}, {transform_indices = @transform_5, window_bounds = array<i64: 5000, 1>}]} {
    %get3A = arith.constant 0 : index
    %get3A_0 = arith.constant 0 : index
    %get3A_1 = vector.load %arg1[%get3A, %get3A_0] : memref<5000x128xf32, #tpu.memory_space<vmem>>, vector<5000x128xf32>
    %get3A_2 = arith.constant 0 : index
    %get3A_3 = arith.constant 0 : index
    %get3A_4 = vector.load %arg2[%get3A_2, %get3A_3] : memref<128x128xf32, #tpu.memory_space<vmem>>, vector<128x128xf32>
    %dot_general3A = arith.constant dense<0.000000e+00> : vector<5000x128xf32>
    %dot_general3A_5 = tpu.matmul %get3A_1, %get3A_4, %dot_general3A {dimension_numbers = #tpu.dot_dimension_numbers<[1], [0], [0], [1], [0, 0, 1, 1], [], []>, transpose_lhs_hint = false} : vector<5000x128xf32>, vector<128x128xf32>, vector<5000x128xf32> -> vector<5000x128xf32>
    %get3A_6 = arith.constant 0 : index
    %get3A_7 = arith.constant 0 : index
    %get3A_8 = vector.load %arg3[%get3A_6, %get3A_7] : memref<5000x32xf32, #tpu.memory_space<vmem>>, vector<5000x32xf32>
    %reduce_sum3A = arith.constant dense<0.000000e+00> : vector<5000xf32>
    %reduce_sum3A_9 = vector.multi_reduction <add>, %get3A_8, %reduce_sum3A [1] : vector<5000x32xf32> to vector<5000xf32>
    %broadcast_in_dim3A = vector.shape_cast %reduce_sum3A_9 : vector<5000xf32> to vector<5000x1xf32>
    %add3A = arith.constant 3.000000e+00 : f32
    %add3A_10 = vector.broadcast %add3A : f32 to vector<5000x1xf32>
    %add3A_11 = arith.addf %broadcast_in_dim3A, %add3A_10 : vector<5000x1xf32>
    %rsqrt3A = math.rsqrt %add3A_11 : vector<5000x1xf32>
    %add3A_12 = arith.constant 2.000000e+00 : f32
    %add3A_13 = vector.broadcast %add3A_12 : f32 to vector<5000x1xf32>
    %add3A_14 = arith.addf %broadcast_in_dim3A, %add3A_13 : vector<5000x1xf32>
    %rsqrt3A_15 = math.rsqrt %add3A_14 : vector<5000x1xf32>
    %mul3A = vector.broadcast %rsqrt3A : vector<5000x1xf32> to vector<5000x128xf32>
    %mul3A_16 = arith.mulf %dot_general3A_5, %mul3A : vector<5000x128xf32>
    %swap3A = arith.constant 0 : index
    %swap3A_17 = arith.constant 0 : index
    %swap3A_18 = vector.load %arg4[%swap3A, %swap3A_17] : memref<5000x128xf32, #tpu.memory_space<vmem>>, vector<5000x128xf32>
    tpu.vector_store %arg4[%swap3A, %swap3A_17], %mul3A_16 {strides = array<i32>} : memref<5000x128xf32, #tpu.memory_space<vmem>>, vector<5000x128xf32>,
    %swap3A_19 = arith.constant 0 : index
    %swap3A_20 = arith.constant 0 : index
    %swap3A_21 = vector.load %arg5[%swap3A_19, %swap3A_20] : memref<5000x1xf32, #tpu.memory_space<vmem>>, vector<5000x1xf32>
    tpu.vector_store %arg5[%swap3A_19, %swap3A_20], %rsqrt3A {strides = array<i32>} : memref<5000x1xf32, #tpu.memory_space<vmem>>, vector<5000x1xf32>,
    %swap3A_22 = arith.constant 0 : index
    %swap3A_23 = arith.constant 0 : index
    %swap3A_24 = vector.load %arg6[%swap3A_22, %swap3A_23] : memref<5000x1xf32, #tpu.memory_space<vmem>>, vector<5000x1xf32>
    tpu.vector_store %arg6[%swap3A_22, %swap3A_23], %rsqrt3A_15 {strides = array<i32>} : memref<5000x1xf32, #tpu.memory_space<vmem>>, vector<5000x1xf32>,
    return
  }
  func.func @transform_0(%arg0: i32) -> (i32, i32) {
    %c0_i32 = arith.constant 0 : i32
    %c0_i32_0 = arith.constant 0 : i32
    return %arg0, %c0_i32 : i32, i32
  }
  func.func @transform_1(%arg0: i32) -> (i32, i32) {
    %c0_i32 = arith.constant 0 : i32
    %c0_i32_0 = arith.constant 0 : i32
    %c0_i32_1 = arith.constant 0 : i32
    return %c0_i32, %c0_i32_0 : i32, i32
  }
  func.func @transform_2(%arg0: i32) -> (i32, i32) {
    %c0_i32 = arith.constant 0 : i32
    %c0_i32_0 = arith.constant 0 : i32
    return %arg0, %c0_i32 : i32, i32
  }
  func.func @transform_3(%arg0: i32) -> (i32, i32) {
    %c0_i32 = arith.constant 0 : i32
    %c0_i32_0 = arith.constant 0 : i32
    return %arg0, %c0_i32 : i32, i32
  }
  func.func @transform_4(%arg0: i32) -> (i32, i32) {
    %c0_i32 = arith.constant 0 : i32
    %c0_i32_0 = arith.constant 0 : i32
    return %arg0, %c0_i32 : i32, i32
  }
  func.func @transform_5(%arg0: i32) -> (i32, i32) {
    %c0_i32 = arith.constant 0 : i32
    %c0_i32_0 = arith.constant 0 : i32
    return %arg0, %c0_i32 : i32, i32
  }
}

module attributes {stable_mosaic.version = 14 : i64} {
  func.func @_dense2(%arg0: i32, %arg1: memref<2x5000x128xf32, #tpu.memory_space<vmem>>, %arg2: memref<5000x128xf32, #tpu.memory_space<vmem>>, %arg3: memref<5000x1xf32, #tpu.memory_space<vmem>>, %arg4: memref<5000x1xf32, #tpu.memory_space<vmem>>, %arg5: memref<1x128xf32, #tpu.memory_space<vmem>>, %arg6: memref<1x128xf32, #tpu.memory_space<vmem>>, %arg7: memref<1x128xf32, #tpu.memory_space<vmem>>, %arg8: memref<128x128xf32, #tpu.memory_space<vmem>>, %arg9: memref<5000x128xf32, #tpu.memory_space<vmem>>) attributes {dimension_semantics = [#tpu.dimension_semantics<arbitrary>], iteration_bounds = array<i64: 2>, scalar_prefetch = 0 : i64, scratch_operands = 0 : i64, tpu.core_type = #tpu.core_type<tc>, window_params = [{transform_indices = @transform_0, window_bounds = array<i64: 2, 5000, 128>}, {transform_indices = @transform_1, window_bounds = array<i64: 5000, 128>}, {transform_indices = @transform_2, window_bounds = array<i64: 5000, 1>}, {transform_indices = @transform_3, window_bounds = array<i64: 5000, 1>}, {pipeline_mode = #tpu.pipeline_mode<synchronous>, transform_indices = @transform_4, window_bounds = array<i64: 1, 128>}, {pipeline_mode = #tpu.pipeline_mode<synchronous>, transform_indices = @transform_5, window_bounds = array<i64: 1, 128>}, {pipeline_mode = #tpu.pipeline_mode<synchronous>, transform_indices = @transform_6, window_bounds = array<i64: 1, 128>}, {pipeline_mode = #tpu.pipeline_mode<synchronous>, transform_indices = @transform_7, window_bounds = array<i64: 128, 128>}, {transform_indices = @transform_8, window_bounds = array<i64: 5000, 128>}]} {
    %get3A = arith.constant 0 : index
    %get3A_0 = arith.constant 0 : index
    %get3A_1 = arith.constant 0 : index
    %get3A_2 = vector.load %arg1[%get3A, %get3A_0, %get3A_1] : memref<2x5000x128xf32, #tpu.memory_space<vmem>>, vector<1x5000x128xf32>
    %get3A_3 = vector.shape_cast %get3A_2 : vector<1x5000x128xf32> to vector<5000x128xf32>
    %get3A_4 = arith.constant 1 : index
    %get3A_5 = arith.constant 0 : index
    %get3A_6 = arith.constant 0 : index
    %get3A_7 = vector.load %arg1[%get3A_4, %get3A_5, %get3A_6] : memref<2x5000x128xf32, #tpu.memory_space<vmem>>, vector<1x5000x128xf32>
    %get3A_8 = vector.shape_cast %get3A_7 : vector<1x5000x128xf32> to vector<5000x128xf32>
    %add3A = arith.addf %get3A_3, %get3A_8 : vector<5000x128xf32>
    %get3A_9 = arith.constant 0 : index
    %get3A_10 = arith.constant 0 : index
    %get3A_11 = vector.load %arg3[%get3A_9, %get3A_10] : memref<5000x1xf32, #tpu.memory_space<vmem>>, vector<5000x1xf32>
    %mul3A = vector.broadcast %get3A_11 : vector<5000x1xf32> to vector<5000x128xf32>
    %mul3A_12 = arith.mulf %mul3A, %add3A : vector<5000x128xf32>
    %mul3A_13 = arith.constant 3.000000e+00 : f32
    %mul3A_14 = vector.broadcast %mul3A_13 : f32 to vector<5000x1xf32>
    %mul3A_15 = arith.mulf %mul3A_14, %get3A_11 : vector<5000x1xf32>
    %get3A_16 = arith.constant 0 : index
    %get3A_17 = arith.constant 0 : index
    %get3A_18 = vector.load %arg2[%get3A_16, %get3A_17] : memref<5000x128xf32, #tpu.memory_space<vmem>>, vector<5000x128xf32>
    %mul3A_19 = vector.broadcast %mul3A_15 : vector<5000x1xf32> to vector<5000x128xf32>
    %mul3A_20 = arith.mulf %mul3A_19, %get3A_18 : vector<5000x128xf32>
    %add3A_21 = arith.addf %mul3A_12, %mul3A_20 : vector<5000x128xf32>
    %get3A_22 = arith.constant 0 : index
    %get3A_23 = arith.constant 0 : index
    %get3A_24 = vector.load %arg5[%get3A_22, %get3A_23] : memref<1x128xf32, #tpu.memory_space<vmem>>, vector<1x128xf32>
    %add3A_25 = vector.broadcast %get3A_24 : vector<1x128xf32> to vector<5000x128xf32>
    %add3A_26 = arith.addf %add3A_21, %add3A_25 : vector<5000x128xf32>
    %reduce_sum3A = arith.constant dense<0.000000e+00> : vector<5000xf32>
    %reduce_sum3A_27 = vector.multi_reduction <add>, %add3A_26, %reduce_sum3A [1] : vector<5000x128xf32> to vector<5000xf32>
    %broadcast_in_dim3A = vector.shape_cast %reduce_sum3A_27 : vector<5000xf32> to vector<5000x1xf32>
    %div3A = arith.constant 1.280000e+02 : f32
    %div3A_28 = vector.broadcast %div3A : f32 to vector<5000x1xf32>
    %div3A_29 = arith.divf %broadcast_in_dim3A, %div3A_28 : vector<5000x1xf32>
    %sub3A = vector.broadcast %div3A_29 : vector<5000x1xf32> to vector<5000x128xf32>
    %sub3A_30 = arith.subf %add3A_26, %sub3A : vector<5000x128xf32>
    %mul3A_31 = arith.mulf %sub3A_30, %sub3A_30 : vector<5000x128xf32>
    %reduce_sum3A_32 = arith.constant dense<0.000000e+00> : vector<5000xf32>
    %reduce_sum3A_33 = vector.multi_reduction <add>, %mul3A_31, %reduce_sum3A_32 [1] : vector<5000x128xf32> to vector<5000xf32>
    %broadcast_in_dim3A_34 = vector.shape_cast %reduce_sum3A_33 : vector<5000xf32> to vector<5000x1xf32>
    %div3A_35 = arith.constant 1.280000e+02 : f32
    %div3A_36 = vector.broadcast %div3A_35 : f32 to vector<5000x1xf32>
    %div3A_37 = arith.divf %broadcast_in_dim3A_34, %div3A_36 : vector<5000x1xf32>
    %add3A_38 = arith.constant 9.99999974E-6 : f32
    %add3A_39 = vector.broadcast %add3A_38 : f32 to vector<5000x1xf32>
    %add3A_40 = arith.addf %div3A_37, %add3A_39 : vector<5000x1xf32>
    %rsqrt3A = math.rsqrt %add3A_40 : vector<5000x1xf32>
    %mul3A_41 = vector.broadcast %rsqrt3A : vector<5000x1xf32> to vector<5000x128xf32>
    %mul3A_42 = arith.mulf %sub3A_30, %mul3A_41 : vector<5000x128xf32>
    %get3A_43 = arith.constant 0 : index
    %get3A_44 = arith.constant 0 : index
    %get3A_45 = vector.load %arg6[%get3A_43, %get3A_44] : memref<1x128xf32, #tpu.memory_space<vmem>>, vector<1x128xf32>
    %mul3A_46 = vector.broadcast %get3A_45 : vector<1x128xf32> to vector<5000x128xf32>
    %mul3A_47 = arith.mulf %mul3A_42, %mul3A_46 : vector<5000x128xf32>
    %get3A_48 = arith.constant 0 : index
    %get3A_49 = arith.constant 0 : index
    %get3A_50 = vector.load %arg7[%get3A_48, %get3A_49] : memref<1x128xf32, #tpu.memory_space<vmem>>, vector<1x128xf32>
    %add3A_51 = vector.broadcast %get3A_50 : vector<1x128xf32> to vector<5000x128xf32>
    %add3A_52 = arith.addf %mul3A_47, %add3A_51 : vector<5000x128xf32>
    %max3A = arith.constant 0.000000e+00 : f32
    %max3A_53 = vector.broadcast %max3A : f32 to vector<5000x128xf32>
    %max3A_54 = arith.maximumf %add3A_52, %max3A_53 : vector<5000x128xf32>
    %get3A_55 = arith.constant 0 : index
    %get3A_56 = arith.constant 0 : index
    %get3A_57 = vector.load %arg8[%get3A_55, %get3A_56] : memref<128x128xf32, #tpu.memory_space<vmem>>, vector<128x128xf32>
    %dot_general3A = arith.constant dense<0.000000e+00> : vector<5000x128xf32>
    %dot_general3A_58 = tpu.matmul %max3A_54, %get3A_57, %dot_general3A {dimension_numbers = #tpu.dot_dimension_numbers<[1], [0], [0], [1], [0, 0, 1, 1], [], []>, transpose_lhs_hint = false} : vector<5000x128xf32>, vector<128x128xf32>, vector<5000x128xf32> -> vector<5000x128xf32>
    %get3A_59 = arith.constant 0 : index
    %get3A_60 = arith.constant 0 : index
    %get3A_61 = vector.load %arg4[%get3A_59, %get3A_60] : memref<5000x1xf32, #tpu.memory_space<vmem>>, vector<5000x1xf32>
    %mul3A_62 = vector.broadcast %get3A_61 : vector<5000x1xf32> to vector<5000x128xf32>
    %mul3A_63 = arith.mulf %mul3A_62, %dot_general3A_58 : vector<5000x128xf32>
    %swap3A = arith.constant 0 : index
    %swap3A_64 = arith.constant 0 : index
    %swap3A_65 = vector.load %arg9[%swap3A, %swap3A_64] : memref<5000x128xf32, #tpu.memory_space<vmem>>, vector<5000x128xf32>
    tpu.vector_store %arg9[%swap3A, %swap3A_64], %mul3A_63 {strides = array<i32>} : memref<5000x128xf32, #tpu.memory_space<vmem>>, vector<5000x128xf32>,
    return
  }
  func.func @transform_0(%arg0: i32) -> (i32, i32, i32) {
    %c0_i32 = arith.constant 0 : i32
    %c0_i32_0 = arith.constant 0 : i32
    %c0_i32_1 = arith.constant 0 : i32
    return %c0_i32, %arg0, %c0_i32_0 : i32, i32, i32
  }
  func.func @transform_1(%arg0: i32) -> (i32, i32) {
    %c0_i32 = arith.constant 0 : i32
    %c0_i32_0 = arith.constant 0 : i32
    return %arg0, %c0_i32 : i32, i32
  }
  func.func @transform_2(%arg0: i32) -> (i32, i32) {
    %c0_i32 = arith.constant 0 : i32
    %c0_i32_0 = arith.constant 0 : i32
    return %arg0, %c0_i32 : i32, i32
  }
  func.func @transform_3(%arg0: i32) -> (i32, i32) {
    %c0_i32 = arith.constant 0 : i32
    %c0_i32_0 = arith.constant 0 : i32
    return %arg0, %c0_i32 : i32, i32
  }
  func.func @transform_4(%arg0: i32) -> (i32, i32) {
    %c0_i32 = arith.constant 0 : i32
    %c0_i32_0 = arith.constant 0 : i32
    %c0_i32_1 = arith.constant 0 : i32
    return %c0_i32, %c0_i32_0 : i32, i32
  }
  func.func @transform_5(%arg0: i32) -> (i32, i32) {
    %c0_i32 = arith.constant 0 : i32
    %c0_i32_0 = arith.constant 0 : i32
    %c0_i32_1 = arith.constant 0 : i32
    return %c0_i32, %c0_i32_0 : i32, i32
  }
  func.func @transform_6(%arg0: i32) -> (i32, i32) {
    %c0_i32 = arith.constant 0 : i32
    %c0_i32_0 = arith.constant 0 : i32
    %c0_i32_1 = arith.constant 0 : i32
    return %c0_i32, %c0_i32_0 : i32, i32
  }
  func.func @transform_7(%arg0: i32) -> (i32, i32) {
    %c0_i32 = arith.constant 0 : i32
    %c0_i32_0 = arith.constant 0 : i32
    %c0_i32_1 = arith.constant 0 : i32
    return %c0_i32, %c0_i32_0 : i32, i32
  }
  func.func @transform_8(%arg0: i32) -> (i32, i32) {
    %c0_i32 = arith.constant 0 : i32
    %c0_i32_0 = arith.constant 0 : i32
    return %arg0, %c0_i32 : i32, i32
  }
}

module attributes {stable_mosaic.version = 14 : i64} {
  func.func @_dense3(%arg0: i32, %arg1: memref<2x5000x128xf32, #tpu.memory_space<vmem>>, %arg2: memref<5000x128xf32, #tpu.memory_space<vmem>>, %arg3: memref<5000x1xf32, #tpu.memory_space<vmem>>, %arg4: memref<1x128xf32, #tpu.memory_space<vmem>>, %arg5: memref<5000x128xf32, #tpu.memory_space<vmem>>, %arg6: memref<5000x128xf32, #tpu.memory_space<vmem>>) attributes {dimension_semantics = [#tpu.dimension_semantics<arbitrary>], iteration_bounds = array<i64: 2>, scalar_prefetch = 0 : i64, scratch_operands = 0 : i64, tpu.core_type = #tpu.core_type<tc>, window_params = [{transform_indices = @transform_0, window_bounds = array<i64: 2, 5000, 128>}, {transform_indices = @transform_1, window_bounds = array<i64: 5000, 128>}, {transform_indices = @transform_2, window_bounds = array<i64: 5000, 1>}, {pipeline_mode = #tpu.pipeline_mode<synchronous>, transform_indices = @transform_3, window_bounds = array<i64: 1, 128>}, {transform_indices = @transform_4, window_bounds = array<i64: 5000, 128>}, {transform_indices = @transform_5, window_bounds = array<i64: 5000, 128>}]} {
    %get3A = arith.constant 0 : index
    %get3A_0 = arith.constant 0 : index
    %get3A_1 = arith.constant 0 : index
    %get3A_2 = vector.load %arg1[%get3A, %get3A_0, %get3A_1] : memref<2x5000x128xf32, #tpu.memory_space<vmem>>, vector<1x5000x128xf32>
    %get3A_3 = vector.shape_cast %get3A_2 : vector<1x5000x128xf32> to vector<5000x128xf32>
    %get3A_4 = arith.constant 1 : index
    %get3A_5 = arith.constant 0 : index
    %get3A_6 = arith.constant 0 : index
    %get3A_7 = vector.load %arg1[%get3A_4, %get3A_5, %get3A_6] : memref<2x5000x128xf32, #tpu.memory_space<vmem>>, vector<1x5000x128xf32>
    %get3A_8 = vector.shape_cast %get3A_7 : vector<1x5000x128xf32> to vector<5000x128xf32>
    %add3A = arith.addf %get3A_3, %get3A_8 : vector<5000x128xf32>
    %get3A_9 = arith.constant 0 : index
    %get3A_10 = arith.constant 0 : index
    %get3A_11 = vector.load %arg3[%get3A_9, %get3A_10] : memref<5000x1xf32, #tpu.memory_space<vmem>>, vector<5000x1xf32>
    %mul3A = vector.broadcast %get3A_11 : vector<5000x1xf32> to vector<5000x128xf32>
    %mul3A_12 = arith.mulf %mul3A, %add3A : vector<5000x128xf32>
    %mul3A_13 = arith.constant 2.000000e+00 : f32
    %mul3A_14 = vector.broadcast %mul3A_13 : f32 to vector<5000x1xf32>
    %mul3A_15 = arith.mulf %mul3A_14, %get3A_11 : vector<5000x1xf32>
    %get3A_16 = arith.constant 0 : index
    %get3A_17 = arith.constant 0 : index
    %get3A_18 = vector.load %arg2[%get3A_16, %get3A_17] : memref<5000x128xf32, #tpu.memory_space<vmem>>, vector<5000x128xf32>
    %mul3A_19 = vector.broadcast %mul3A_15 : vector<5000x1xf32> to vector<5000x128xf32>
    %mul3A_20 = arith.mulf %mul3A_19, %get3A_18 : vector<5000x128xf32>
    %add3A_21 = arith.addf %mul3A_12, %mul3A_20 : vector<5000x128xf32>
    %get3A_22 = arith.constant 0 : index
    %get3A_23 = arith.constant 0 : index
    %get3A_24 = vector.load %arg4[%get3A_22, %get3A_23] : memref<1x128xf32, #tpu.memory_space<vmem>>, vector<1x128xf32>
    %add3A_25 = vector.broadcast %get3A_24 : vector<1x128xf32> to vector<5000x128xf32>
    %add3A_26 = arith.addf %add3A_21, %add3A_25 : vector<5000x128xf32>
    %get3A_27 = arith.constant 0 : index
    %get3A_28 = arith.constant 0 : index
    %get3A_29 = vector.load %arg5[%get3A_27, %get3A_28] : memref<5000x128xf32, #tpu.memory_space<vmem>>, vector<5000x128xf32>
    %add3A_30 = arith.addf %add3A_26, %get3A_29 : vector<5000x128xf32>
    %swap3A = arith.constant 0 : index
    %swap3A_31 = arith.constant 0 : index
    %swap3A_32 = vector.load %arg6[%swap3A, %swap3A_31] : memref<5000x128xf32, #tpu.memory_space<vmem>>, vector<5000x128xf32>
    tpu.vector_store %arg6[%swap3A, %swap3A_31], %add3A_30 {strides = array<i32>} : memref<5000x128xf32, #tpu.memory_space<vmem>>, vector<5000x128xf32>,
    return
  }
  func.func @transform_0(%arg0: i32) -> (i32, i32, i32) {
    %c0_i32 = arith.constant 0 : i32
    %c0_i32_0 = arith.constant 0 : i32
    %c0_i32_1 = arith.constant 0 : i32
    return %c0_i32, %arg0, %c0_i32_0 : i32, i32, i32
  }
  func.func @transform_1(%arg0: i32) -> (i32, i32) {
    %c0_i32 = arith.constant 0 : i32
    %c0_i32_0 = arith.constant 0 : i32
    return %arg0, %c0_i32 : i32, i32
  }
  func.func @transform_2(%arg0: i32) -> (i32, i32) {
    %c0_i32 = arith.constant 0 : i32
    %c0_i32_0 = arith.constant 0 : i32
    return %arg0, %c0_i32 : i32, i32
  }
  func.func @transform_3(%arg0: i32) -> (i32, i32) {
    %c0_i32 = arith.constant 0 : i32
    %c0_i32_0 = arith.constant 0 : i32
    %c0_i32_1 = arith.constant 0 : i32
    return %c0_i32, %c0_i32_0 : i32, i32
  }
  func.func @transform_4(%arg0: i32) -> (i32, i32) {
    %c0_i32 = arith.constant 0 : i32
    %c0_i32_0 = arith.constant 0 : i32
    return %arg0, %c0_i32 : i32, i32
  }
  func.func @transform_5(%arg0: i32) -> (i32, i32) {
    %c0_i32 = arith.constant 0 : i32
    %c0_i32_0 = arith.constant 0 : i32
    return %arg0, %c0_i32 : i32, i32
  }
}

</mosaic_0001>

<sc_bundles>
// kernel: kernel.11.cloned.1.call-start
scs
__scs_entry_jumppad:
0x0: {  	(pc) =	sbr.rel $0x88, $3  }
0x1: {  	(tag) =	ssettag $0x0;
	lr =	simm.s32 $0x1  }
0x2: {  	[smem:$0x3F99] =	sst lr;
	_ =	strace $0xD0000000  }
0x3: {  	_ = 	snop  }
0x4: {  	_ = 	snop  }
0x5: {  	_ = 	snop  }
0x6: {  	_ = 	snop  }
0x7: {  	_ = 	snop  }
__scs_overlays_trampoline_lowered:
0x8: {  	[smem:$0x3FA8] =	sst s0  }
0x9: {  	[smem:$0x3FA9] =	sst s1  }
0xa: {  	[smem:$0x3FAA] =	sst s2  }
0xb: {  	[smem:$0x3FAB] =	sst s3  }
0xc: {  	[smem:$0x3FAC] =	sst s4  }
0xd: {  	[smem:$0x3FAD] =	sst s5  }
0xe: {  	[smem:$0x3FAE] =	sst s6  }
0xf: {  	[smem:$0x3FAF] =	sst s7  }
0x10: {  	[smem:$0x3FB0] =	sst s8  }
0x11: {  	[smem:$0x3FB1] =	sst s9;
	s0 =	simm.s32 @!p0 $0x0  }
0x12: {  	s1 =	sld [smem:$0x3F97];
	s0 =	simm.s32 @p0 $0x1  }
0x13: {  	[smem:$0x3FB2] =	sst s0;
	s0 =	simm.s32 @!p1 $0x0  }
0x14: {  	s2 =	sld [smem:$0x3F96];
	s0 =	simm.s32 @p1 $0x1  }
0x15: {  	[smem:$0x3FB3] =	sst s0;
	s0 =	simm.s32 @!p2 $0x0  }
0x16: {  	s3 =	sld [smem:$0x3FDB];
	s0 =	simm.s32 @p2 $0x1  }
0x17: {  	s4 =	simm.s32 $0x1BF5;
	[smem:$0x3FB5] =	sst s0  }
0x18: {  	s0 =	sld [smem:$0x3F98];
	_ =	swait.ge [sflag:s4], $0x0  }
0x19: {  	s7 =	sld [smem:$0x3F99]  }
0x1a: {  	s8 =	sadd.s32 $0xFFFFE003, lr  }
0x1b: {  	s9 =	sadd.s32 $0xFFFFFEF7, lr;
	s5 =	simm.s32 $0xFFFFFFFF;
	p2 =	slt.u32 s8, $0xFFFFF086  }
0x1c: {  	p1 =	slt.u32 s9, $0xF7A;
	s5 =	simm.s32 @!p2 $0x0  }
0x1d: {  	s5 =	simm.s32 @p1 $0x1;
	p0 =	seq.s32 s7, s2  }
0x1e: {  	s7 =	smul.u32 @!p0 $0xF7A, s2;
	p2 =	seq.s32 @!p0 s5, $0x0  }
0x1f: {  	s9 =	smul.u32 $0xF7A, s1;
	s8 =	simm.s32 @!p0 $0x1BF5;
	p2 =	por !p2, p0  }
0x20: {  	[sflag:s8] =	ssyncset.s32 @!p0 $0xFFFFF086;
	s6 =	sadd.s32 @!p0 s3, s7;
	s7 =	simm.s32 @!p0 $0x108  }
0x21: {  	s3 =	sadd.s32 s3, s9;
	s6 =	sadd.s32 @!p0 $0x88, s6;
	s7 =	simm.s32 @p2 $0x1082  }
0x22: {  	[simem:s7], [sflag:s8] =	dma.local @!p0 [hbm:s6], $0xF7A  }
0x23: {  	s9 =	sor.u32 $0xD0000000, s2;
	s6 =	simm.s32 $0x108;
	_ =	swait.ge @!p0 [sflag:s8], $0x0  }
0x24: {  	s3 =	sadd.s32 $0x88, s3;
	s6 =	simm.s32 @!p1 $0x1082;
	[sflag:s4] =	ssyncset.s32 $0xFFFFF086  }
0x25: {  	[simem:s6], [sflag:s4] =	dma.local [hbm:s3], $0xF7A  }
0x26: {  	[smem:$0x3F99] =	sst s1;
	(tag) =	ssettag s2;
	_ =	strace s9  }
0x27: {  	s1 =	sld [smem:$0x3FA9]  }
0x28: {  	s2 =	sld [smem:$0x3FAA]  }
0x29: {  	s4 =	sld [smem:$0x3FAC]  }
0x2a: {  	p0 =	seq.s32 s5, $0x0;
	s5 =	sld [smem:$0x3FAD]  }
0x2b: {  	s6 =	sld [smem:$0x3FAE]  }
0x2c: {  	s7 =	sld [smem:$0x3FAF]  }
0x2d: {  	s3 =	simm.s32 $0x108;
	s8 =	sld [smem:$0x3FB0]  }
0x2e: {  	s3 =	simm.s32 @!p0 $0x1082;
	s9 =	sld [smem:$0x3FB1]  }
0x2f: {  	lr =	sadd.s32 s0, s3;
	s0 =	sld [smem:$0x3FA8]  }
0x30: {  	s3 =	sld [smem:$0x3FAB]  }
0x31: {  	[smem:$0x3FB4] =	sst s10  }
0x32: {  	s10 =	sld [smem:$0x3FB2];
	_ =	sdelay $0x3  }
0x33: {  	p0 =	seq.s32 s10, $0x1;
	s10 =	sld [smem:$0x3FB4];
	_ =	sdelay $0x3  }
0x34: {  	[smem:$0x3FB4] =	sst s10  }
0x35: {  	s10 =	sld [smem:$0x3FB3];
	_ =	sdelay $0x3  }
0x36: {  	p1 =	seq.s32 s10, $0x1;
	s10 =	sld [smem:$0x3FB4];
	_ =	sdelay $0x3  }
0x37: {  	[smem:$0x3FB4] =	sst s10  }
0x38: {  	s10 =	sld [smem:$0x3FB5]  }
0x39: {  	_ = 	snop;
	(pc) =	sbr.ind lr, $3  }
0x3a: {  	_ = 	snop  }
0x3b: {  	_ = 	snop  }
0x3c: {  	p2 =	seq.s32 s10, $0x1;
	s10 =	sld [smem:$0x3FB4]  }
0x3d: {  	_ =	shalt  }
0x3e: {  	_ =	shalt  }
0x3f: {  	_ =	shalt  }
0x40: {  	_ =	shalt  }
0x41: {  	_ =	shalt  }
0x42: {  	_ =	shalt  }
0x43: {  	_ =	shalt  }
0x44: {  	_ =	shalt  }
0x45: {  	_ =	shalt  }
0x46: {  	_ =	shalt  }
0x47: {  	_ =	shalt  }
0x48: {  	_ =	shalt  }
0x49: {  	_ =	shalt  }
0x4a: {  	_ =	shalt  }
0x4b: {  	_ =	shalt  }
0x4c: {  	_ =	shalt  }
0x4d: {  	_ =	shalt  }
0x4e: {  	_ =	shalt  }
0x4f: {  	_ =	shalt  }
0x50: {  	_ =	shalt  }
0x51: {  	_ =	shalt  }
0x52: {  	_ =	shalt  }
0x53: {  	_ =	shalt  }
0x54: {  	_ =	shalt  }
0x55: {  	_ =	shalt  }
0x56: {  	_ =	shalt  }
0x57: {  	_ =	shalt  }
0x58: {  	_ =	shalt  }
0x59: {  	_ =	shalt  }
0x5a: {  	_ =	shalt  }
0x5b: {  	_ =	shalt  }
0x5c: {  	_ =	shalt  }
0x5d: {  	_ =	shalt  }
0x5e: {  	_ =	shalt  }
0x5f: {  	_ =	shalt  }
0x60: {  	_ =	shalt  }
0x61: {  	_ =	shalt  }
0x62: {  	_ =	shalt  }
0x63: {  	_ =	shalt  }
0x64: {  	_ =	shalt  }
0x65: {  	_ =	shalt  }
0x66: {  	_ =	shalt  }
0x67: {  	_ =	shalt  }
0x68: {  	_ =	shalt  }
0x69: {  	_ =	shalt  }
0x6a: {  	_ =	shalt  }
0x6b: {  	_ =	shalt  }
0x6c: {  	_ =	shalt  }
0x6d: {  	_ =	shalt  }
0x6e: {  	_ =	shalt  }
0x6f: {  	_ =	shalt  }
0x70: {  	_ =	shalt  }
0x71: {  	_ =	shalt  }
0x72: {  	_ =	shalt  }
0x73: {  	_ =	shalt  }
0x74: {  	_ =	shalt  }
0x75: {  	_ =	shalt  }
0x76: {  	_ =	shalt  }
0x77: {  	_ =	shalt  }
0x78: {  	_ =	shalt  }
0x79: {  	_ =	shalt  }
0x7a: {  	_ =	shalt  }
0x7b: {  	_ =	shalt  }
0x7c: {  	_ =	shalt  }
0x7d: {  	_ =	shalt  }
0x7e: {  	_ =	shalt  }
0x7f: {  	_ =	shalt  }
0x80: {  	_ =	shalt  }
0x81: {  	_ =	shalt  }
0x82: {  	_ =	shalt  }
0x83: {  	_ =	shalt  }
0x84: {  	_ =	shalt  }
0x85: {  	_ =	shalt  }
0x86: {  	_ =	shalt  }
0x87: {  	_ =	shalt  }
.Lfunc_end0:
.L_simem_size_0:
called_computation.1_lowered:
.L_overlay_start_0:
0x88: {  	s2 =	sld [smem:$0x3FD9]  }
0x89: {  	s3 =	sld [smem:$0x3FFE];
	_ =	sdelay $0x1  }
0x8a: {  	s1 =	srdreg.scid  }
0x8b: {  	s0 =	sand.u32 $0x1, s1  }
0x8c: {  	s17 =	sshll.u32 s0, $0xA;
	s2 =	sadd.s32 s3, s2  }
0x8d: {  	s2 =	sadd.s32 s2, s17  }
0x8e: {  	[smem:$0x3FC0] =	sst s2  }
0x8f: {  	_ = 	snop  }
0x90: {  	s2 =	sld [smem:$0x3FD0];
	(tm) =	ssettm $0x1  }
0x91: {  	s18 =	sld [smem:$0x3FFB];
	_ =	sdelay $0x3  }
0x92: {  	_ =	strace s18  }
0x93: {  	s3 =	sld [smem:$0x3FFC];
	_ =	sdelay $0x3  }
0x94: {  	_ =	strace s3  }
0x95: {  	s3 =	sld [smem:$0x3FFD];
	_ =	sdelay $0x3  }
0x96: {  	_ =	strace s3  }
0x97: {  	_ =	strace $0x8FFFFFFF  }
0x98: {  	s19 =	sld [smem:$0x3FDB];
	_ =	sdelay $0x1  }
0x99: {  	s4 =	simm.s32 $_scs_section_size  }
0x9a: {  	s5 =	simm.s32 $_size__tile_overlayer_lowered;
	s6 =	simm.s32 $_tile_overlayer_lowered  }
0x9b: {  	s22 =	simm.s32 $0x1BFF;
	s21 =	sshll.u32 s6, $0x1;
	s3 =	sadd.s32 s4, s19  }
0x9c: {  	s7 =	simm.s32 $0x0;
	s20 =	sshll.u32 s5, $0x1;
	s5 =	sadd.s32 s21, s3  }
0x9d: {  	[timem:s7], [sflag:s22] =	dma.local [hbm:s5], s20  }
0x9e: {  	_ =	swait.ge [sflag:s22], s20  }
0x9f: {  	s4 =	ssub.s32 $0x0, s20;
	[sflag:s22] =	ssyncset.done $0x0  }
0xa0: {  	[sflag:s22] =	ssyncadd.s32 s4;
	_ =	sdelay $0x1  }
0xa1: {  	s23 =	simm.s32 $0x1B8B  }
0xa2: {  	_ =	swait.ge [sflag:s23], $0x1  }
0xa3: {  	[sflag:s23] =	ssyncset.done $0x0  }
0xa4: {  	s25 =	simm.s32 $0x1B8E;
	s24 =	sld [smem:$0x3FFE];
	[sflag:s23] =	ssyncadd.s32 $0xFFFFFFFF  }
0xa5: {  	s26 =	simm.s32 $execute0_lowered;
	[smem:$0x3FD2] =	sst s25  }
0xa6: {  	s5 =	sshll.u32 s26, $0x1;
	_ =	strace $0x80000049;
	[dreg:$0x1] =	wrdreg $0xFFFFFFFF  }
0xa7: {  	s28 =	simm.s32 $_size_execute0_lowered;
	s3 =	sadd.s32 s3, s5;
	[dreg:$0x0] =	wrdreg $0x0  }
0xa8: {  	s5 =	sshll.u32 s28, $0x1;
	[dreg:$0x2] =	wrdreg s3  }
0xa9: {  	[dreg:$0x3] =	wrdreg s5  }
0xaa: {  	[dreg:$0x4] =	wrdreg $0xC0  }
0xab: {  	_ =	task [dreg:s7], $0x5FFFF  }
0xac: {  	[dreg:$0x1] =	wrdreg $0xFFFFFFFF  }
0xad: {  	[dreg:$0x0] =	wrdreg $0x60  }
0xae: {  	[dreg:$0x2] =	wrdreg s2  }
0xaf: {  	[dreg:$0x3] =	wrdreg s24  }
0xb0: {  	[dreg:$0x4] =	wrdreg $0xA1000  }
0xb1: {  	[dreg:$0x5] =	wrdreg $0x9  }
0xb2: {  	_ =	task.clear_ibuf [dreg:s7], $0x6FFFF;
	_ =	strace $0x90000049  }
0xb3: {  	s29 =	simm.s32 $0x9;
	_ =	strace $0x8000004B  }
0xb4: {  	_ =	swait.ge [sflag:s29], $0x1  }
0xb5: {  	[sflag:s29] =	ssyncadd.s32 $0xFFFFFFFF  }
0xb6: {  	_ =	strace $0x9000004B  }
0xb7: {  	_ =	sfence  }
0xb8: {  	s30 =	sld [smem:$0x0];
	_ =	sdelay $0x2  }
0xb9: {  	s31 =	sshll.u32 s1, $0xD;
	s1 =	sshrl.u32 s1, $0x2  }
0xba: {  	s3 =	sand.u32 $0x4000, s31;
	s1 =	sadd.s32 s1, s30  }
0xbb: {  	s0 =	sor.u32 s3, s0;
	s1 =	sshll.u32 s1, $0x11  }
0xbc: {  	s0 =	sor.u32 s1, s0  }
0xbd: {  	s0 =	sadd.s32 $0x8F2B, s0  }
0xbe: {  	[sflag:s0] =	ssyncadd.remote.s32 $0x1  }
0xbf: {  	_ =	sfence.sel $0xFFFF  }
0xc0: {  	[dreg:$0x0] =	wrdreg $0xFFFFFFFF;
	(pc) =	sbr.abs _section_cstart, $3  }
0xc1: {  	[dreg:$0x1] =	wrdreg $0xFFFFFFFF  }
0xc2: {  	_ =	task.clear_ibuf [dreg:s7], $0x2FFFF;
	_ =	strace $0x9FFFFFFF  }
0xc3: {  	(tm) =	ssettm $0x7FFFFFFF  }
tec
execute0_lowered:
.L_overlay_start_1:
0x0: {  	(tag) =	ssettag $0x1  }
0x1: {  	s0 =	srdreg.scid;
	s1 =	rddreg [dreg:$0x0]  }
0x2: {  	s11 =	stileid.u32;
	s6 =	rddreg [dreg:$0x1]  }
0x3: {  	s3 =	rddreg [dreg:$0x2];
	s4 =	simm.s32 $0x0;
	s28 =	simm.s32 $0x2800  }
0x4: {  	s29 =	simm.s32 $0x1;
	s30 =	simm.s32 $0x7;
	s31 =	simm.s32 $0x2  }
0x5: {  	s0 =	sand.u32 $0x1, s0;
	[smem:$0x7FF] =	sst s4;
	s9 =	smul.u32 $0x4F000, s11  }
0x6: {  	s5 =	sadd.s32 $0xCA00, s6;
	s10 =	sadd.s32 $0x16800, s6;
	s17 =	smul.u32 $0x13C00, s11  }
0x7: {  	s19 =	smul.u32 $0x2710, s11;
	p0 =	seq.s32 s11, $0xF;
	s2 =	sshll.u32 s0, $0x4  }
0x8: {  	_ =	strace $0x8000004A;
	s8 =	ssub.s32 $0x2, s0;
	s15 =	smul.u32 $0x138800, s0  }
0x9: {  	[dreg:$0x4] =	wrdreg s10;
	s0 =	smul.u32 $0x27100, s0;
	s2 =	sor.u32 s11, s2  }
0xa: {  	s14 =	sshrl.u32 s8, $0x1;
	s9 =	sshrl.u32 s9, $0x2;
	s2 =	smul.u32 $0x2710, s2  }
0xb: {  	s8 =	ssub.s32 s8, s14;
	s16 =	sadd.s32 s9, s3;
	s9 =	sadd.s32 $0x128400, s3  }
0xc: {  	s10 =	sshrl.u32 s15, $0x3;
	s0 =	sadd.s32 s19, s0;
	s14 =	simm.s32 $0x0  }
0xd: {  	[dreg:$0x6] =	wrdreg s16;
	s22 =	sadd.s32 $0x190, s0;
	s24 =	sadd.s32 $0x140, s0  }
0xe: {  	s25 =	smax.u32 s8, $0x1;
	s0 =	sadd.s32 $0xF0, s0;
	s16 =	sshrl.u32 @p0 s9, $0x3  }
0xf: {  	s8 =	simm.s32 $0x4;
	s2 =	sshrl.u32 s2, $0x3;
	[dreg:$0xe] =	wrdreg s25  }
0x10: {  	s23 =	sshrl.u32 s22, $0x3;
	s26 =	sshrl.u32 s24, $0x3;
	[dreg:$0x11] =	wrdreg s0  }
0x11: {  	[dreg:$0x12] =	wrdreg s16;
	s7 =	sadd.s32 s2, s6;
	s12 =	sadd.s32 s5, s2  }
0x12: {  	s0 =	sshll.u32 @!p0 s11, $0x6;
	s7 =	sadd.s32 $0x2C00, s7;
	[dreg:$0x7] =	wrdreg s12  }
0x13: {  	s24 =	simm.s32 $0x2900;
	s2 =	sadd.s32 $0xA, s12;
	[dreg:$0x5] =	wrdreg s7  }
0x14: {  	s25 =	simm.s32 $0x2780;
	s18 =	sadd.s32 $0x14, s12;
	[dreg:$0x8] =	wrdreg s2  }
0x15: {  	s11 =	simm.s32 $0x9;
	s13 =	sadd.s32 $0x4CE, s12;
	[dreg:$0x9] =	wrdreg s18  }
0x16: {  	s6 =	sadd.s32 $0x19000, s6;
	s12 =	sadd.s32 $0x4D8, s12;
	[dreg:$0xa] =	wrdreg s13  }
0x17: {  	s21 =	sadd.s32 s6, s10;
	s10 =	simm.s32 $0x3;
	[dreg:$0xb] =	wrdreg s12  }
0x18: {  	s7 =	sadd.s32 s17, s15;
	s2 =	sadd.s32 $0x25080, s21;
	s17 =	sor.u32 @!p0 $0x1C0A, s0  }
0x19: {  	s0 =	simm.s32 $0x2880;
	s12 =	simm.s32 $0x5;
	s13 =	simm.s32 $0x6  }
0x1a: {  	s7 =	sshrl.u32 s7, $0x3;
	[dreg:$0xd] =	wrdreg s2;
	s2 =	sadd.s32 s23, s5  }
0x1b: {  	s23 =	simm.s32 $0x50;
	s20 =	sadd.s32 s6, s7;
	[dreg:$0xf] =	wrdreg s2  }
0x1c: {  	s2 =	sadd.s32 s26, s5;
	s26 =	simm.s32 $0x5100;
	[dreg:$0xc] =	wrdreg s20  }
0x1d: {  	s7 =	simm.s32 $0x8;
	[dreg:$0x10] =	wrdreg s2;
	s2 =	simm.s32 $0x7900  }
.LBB2_1:
0x1e: {  	s6 =	rddreg [dreg:$0x5];
	s18 =	simm.s32 $0xA  }
0x1f: {  	[tilespmem:s4], [sflag:$0xA] =	stream.linear.gather [hbm4b:s6+s4], $0x2710, $0x38;
	[tilespmem:$0x1D980] =	vst v63  }
0x20: {  	_ =	swait.ge [sflag:s18], $0x2710  }
0x21: {  	[sflag:s18] =	ssyncset.done $0x0  }
0x22: {  	s6 =	simm.s32 @p0 $0x1FCA;
	s9 =	rddreg [dreg:$0x4];
	[sflag:s18] =	ssyncadd.s32 $0xFFFFD8F0  }
0x23: {  	[spmem:s16], [sflag:s6] =	dma.local @p0 [hbm:s9], $0x2080  }
0x24: {  	s6 =	simm.s32 @p0 $0xA  }
0x25: {  	_ =	swait.ge @p0 [sflag:s6], $0x2080  }
0x26: {  	[sflag:s6] =	ssyncset.done @p0 $0x0  }
0x27: {  	[sflag:s6] =	ssyncadd.s32 @p0 $0xFFFFDF80;
	s6 =	rddreg [dreg:$0x6]  }
0x28: {  	s15 =	sshrl.u32 @!p0 s6, $0x3;
	s6 =	simm.s32 @!p0 $0xA  }
0x29: {  	[spmem:s15], [sflag:s17] =	dma.local @!p0 [hbm:s9], $0x2780  }
0x2a: {  	_ =	swait.ge @!p0 [sflag:s6], $0x2780  }
0x2b: {  	[sflag:s6] =	ssyncset.done @!p0 $0x0  }
0x2c: {  	[sflag:s6] =	ssyncadd.s32 @!p0 $0xFFFFD880  }
0x2d: {  	[bflag:$0x0] =	sbarrier.arrive $0xFFFF  }
0x2e: {  	[tilespmem:s24], [sflag:$0x1] =	stream.indirect.gather [hbm4b:s1+s23], $0x80, s4, s23, $0xb8;
	[tilespmem:$0x1D980] =	vst v63  }
0x2f: {  	s19 =	rddreg [dreg:$0x7]  }
0x30: {  	[tilespmem:s25], [sflag:$0x7] =	stream.linear.gather [hbm4b:s19+s4], $0x50, $0x38;
	[tilespmem:$0x1D980] =	vst v63  }
0x31: {  	_ = 	snop  }
0x32: {  	[tilespmem:s26], [sflag:$0x2] =	stream.indirect.gather [hbm4b:s1+s23], $0x80, s23, s23, $0xb8;
	[tilespmem:$0x1D980] =	vst v63  }
0x33: {  	s20 =	rddreg [dreg:$0x8]  }
0x34: {  	[tilespmem:s28], [sflag:$0x8] =	stream.linear.gather [hbm4b:s20+s4], $0x50, $0x38;
	[tilespmem:$0x1D980] =	vst v63  }
0x35: {  	_ =	swait.ge [sflag:s29], $0x2800  }
0x36: {  	[sflag:s29] =	ssyncset.done $0x0  }
0x37: {  	[sflag:s29] =	ssyncadd.s32 $0xFFFFD800  }
0x38: {  	_ =	swait.ge [sflag:s30], $0x50  }
0x39: {  	[sflag:s30] =	ssyncset.done $0x0  }
0x3a: {  	[sflag:s30] =	ssyncadd.s32 $0xFFFFFFB0  }
0x3b: {  	[spmem:s3] =	stream.indirect.scatter.add.f32 [tilespmem:s24], [sflag:$0x4], $0x80, s25, s23, $0xb8;
	[tilespmem:$0x1D980] =	vst v63  }
0x3c: {  	s21 =	simm.s32 $0xA0  }
0x3d: {  	[tilespmem:s2], [sflag:$0x3] =	stream.indirect.gather [hbm4b:s1+s23], $0x80, s21, s23, $0xb8;
	[tilespmem:$0x1D980] =	vst v63  }
0x3e: {  	s9 =	rddreg [dreg:$0x9]  }
0x3f: {  	[tilespmem:s0], [sflag:$0x9] =	stream.linear.gather [hbm4b:s9+s4], $0x50, $0x38;
	[tilespmem:$0x1D980] =	vst v63  }
0x40: {  	_ =	swait.ge [sflag:s31], $0x2800  }
0x41: {  	[sflag:s31] =	ssyncset.done $0x0  }
0x42: {  	[sflag:s31] =	ssyncadd.s32 $0xFFFFD800  }
0x43: {  	_ =	swait.ge [sflag:s7], $0x50  }
0x44: {  	[sflag:s7] =	ssyncset.done $0x0  }
0x45: {  	[sflag:s7] =	ssyncadd.s32 $0xFFFFFFB0  }
0x46: {  	[spmem:s3] =	stream.indirect.scatter.add.f32 [tilespmem:s26], [sflag:$0x5], $0x80, s28, s23, $0xb8;
	[tilespmem:$0x1D980] =	vst v63  }
0x47: {  	_ =	swait.ge [sflag:s8], $0x2800  }
0x48: {  	s22 =	smov.u32 s17;
	[sflag:s8] =	ssyncset.done $0x0;
	s19 =	rddreg [dreg:$0x11]  }
0x49: {  	s16 =	simm.s32 $0xF0;
	[sflag:s8] =	ssyncadd.s32 $0xFFFFD800;
	s17 =	sshrl.u32 s19, $0x3  }
0x4a: {  	[tilespmem:s24], [sflag:$0x1] =	stream.indirect.gather [hbm4b:s1+s23], $0x80, s16, s23, $0xb8;
	[tilespmem:$0x1D980] =	vst v63  }
0x4b: {  	s18 =	sadd.s32 s5, s17  }
0x4c: {  	[tilespmem:s25], [sflag:$0x7] =	stream.linear.gather [hbm4b:s18+s4], $0x50, $0x38;
	[tilespmem:$0x1D980] =	vst v63  }
0x4d: {  	_ =	swait.ge [sflag:s10], $0x2800  }
0x4e: {  	[sflag:s10] =	ssyncset.done $0x0  }
0x4f: {  	[sflag:s10] =	ssyncadd.s32 $0xFFFFD800  }
0x50: {  	_ =	swait.ge [sflag:s11], $0x50  }
0x51: {  	[sflag:s11] =	ssyncset.done $0x0  }
0x52: {  	[sflag:s11] =	ssyncadd.s32 $0xFFFFFFB0  }
0x53: {  	[spmem:s3] =	stream.indirect.scatter.add.f32 [tilespmem:s2], [sflag:$0x6], $0x80, s0, s23, $0xb8;
	[tilespmem:$0x1D980] =	vst v63  }
0x54: {  	_ =	swait.ge [sflag:s12], $0x2800  }
0x55: {  	[sflag:s12] =	ssyncset.done $0x0  }
0x56: {  	s20 =	simm.s32 $0x140;
	[sflag:s12] =	ssyncadd.s32 $0xFFFFD800  }
0x57: {  	[tilespmem:s26], [sflag:$0x2] =	stream.indirect.gather [hbm4b:s1+s23], $0x80, s20, s23, $0xb8;
	[tilespmem:$0x1D980] =	vst v63  }
0x58: {  	s18 =	rddreg [dreg:$0x10]  }
0x59: {  	[tilespmem:s28], [sflag:$0x8] =	stream.linear.gather [hbm4b:s18+s4], $0x50, $0x38;
	[tilespmem:$0x1D980] =	vst v63  }
0x5a: {  	_ =	swait.ge [sflag:s29], $0x2800  }
0x5b: {  	[sflag:s29] =	ssyncset.done $0x0  }
0x5c: {  	[sflag:s29] =	ssyncadd.s32 $0xFFFFD800  }
0x5d: {  	_ =	swait.ge [sflag:s30], $0x50  }
0x5e: {  	[sflag:s30] =	ssyncset.done $0x0  }
0x5f: {  	[sflag:s30] =	ssyncadd.s32 $0xFFFFFFB0  }
0x60: {  	[spmem:s3] =	stream.indirect.scatter.add.f32 [tilespmem:s24], [sflag:$0x4], $0x80, s25, s23, $0xb8;
	[tilespmem:$0x1D980] =	vst v63  }
0x61: {  	s21 =	simm.s32 $0x190;
	s6 =	sadd.s32 $0xF0, s19;
	_ =	swait.ge [sflag:s13], $0x2800  }
0x62: {  	s16 =	simm.s32 $0x3C0;
	[sflag:s13] =	ssyncset.done $0x0;
	s17 =	rddreg [dreg:$0xf]  }
0x63: {  	s20 =	sadd.s32 $0x1E, s18;
	[sflag:s13] =	ssyncadd.s32 $0xFFFFD800;
	s9 =	sadd.s32 $0x1E, s17  }
0x64: {  	[tilespmem:s2], [sflag:$0x3] =	stream.indirect.gather [hbm4b:s1+s23], $0x80, s21, s23, $0xb8;
	[tilespmem:$0x1D980] =	vst v63  }
.LBB2_2:
0x65: {  	[tilespmem:s0], [sflag:$0x9] =	stream.linear.gather [hbm4b:s17+s4], $0x50, $0x38;
	[tilespmem:$0x1D980] =	vst v63  }
0x66: {  	s18 =	smov.u32 s16;
	s17 =	smov.u32 s9  }
0x67: {  	p1 =	sne.s32 s16, $0x9240;
	s16 =	sadd.s32 $0x3C0, s16;
	_ =	swait.ge [sflag:s31], $0x2800  }
0x68: {  	[sflag:s31] =	ssyncset.done $0x0  }
0x69: {  	[sflag:s31] =	ssyncadd.s32 $0xFFFFD800  }
0x6a: {  	_ =	swait.ge [sflag:s7], $0x50  }
0x6b: {  	[sflag:s7] =	ssyncset.done $0x0  }
0x6c: {  	[sflag:s7] =	ssyncadd.s32 $0xFFFFFFB0  }
0x6d: {  	[spmem:s3] =	stream.indirect.scatter.add.f32 [tilespmem:s26], [sflag:$0x5], $0x80, s28, s23, $0xb8;
	[tilespmem:$0x1D980] =	vst v63  }
0x6e: {  	_ =	swait.ge [sflag:s8], $0x2800  }
0x6f: {  	s18 =	sshra.s32 s18, $0x2;
	[sflag:s8] =	ssyncset.done $0x0  }
0x70: {  	s21 =	sshrl.u32 s6, $0x3;
	s19 =	sadd.s32 $0xF0, s18;
	[sflag:s8] =	ssyncadd.s32 $0xFFFFD800  }
0x71: {  	[tilespmem:s24], [sflag:$0x1] =	stream.indirect.gather [hbm4b:s1+s23], $0x80, s19, s23, $0xb8;
	[tilespmem:$0x1D980] =	vst v63  }
0x72: {  	s19 =	sadd.s32 s5, s21  }
0x73: {  	[tilespmem:s25], [sflag:$0x7] =	stream.linear.gather [hbm4b:s19+s4], $0x50, $0x38;
	[tilespmem:$0x1D980] =	vst v63  }
0x74: {  	_ =	swait.ge [sflag:s10], $0x2800  }
0x75: {  	[sflag:s10] =	ssyncset.done $0x0  }
0x76: {  	[sflag:s10] =	ssyncadd.s32 $0xFFFFD800  }
0x77: {  	_ =	swait.ge [sflag:s11], $0x50  }
0x78: {  	[sflag:s11] =	ssyncset.done $0x0  }
0x79: {  	[sflag:s11] =	ssyncadd.s32 $0xFFFFFFB0  }
0x7a: {  	[spmem:s3] =	stream.indirect.scatter.add.f32 [tilespmem:s2], [sflag:$0x6], $0x80, s0, s23, $0xb8;
	[tilespmem:$0x1D980] =	vst v63  }
0x7b: {  	_ =	swait.ge [sflag:s12], $0x2800  }
0x7c: {  	[sflag:s12] =	ssyncset.done $0x0  }
0x7d: {  	s19 =	sadd.s32 $0x140, s18;
	[sflag:s12] =	ssyncadd.s32 $0xFFFFD800  }
0x7e: {  	[tilespmem:s26], [sflag:$0x2] =	stream.indirect.gather [hbm4b:s1+s23], $0x80, s19, s23, $0xb8;
	[tilespmem:$0x1D980] =	vst v63  }
0x7f: {  	_ = 	snop  }
0x80: {  	[tilespmem:s28], [sflag:$0x8] =	stream.linear.gather [hbm4b:s20+s4], $0x50, $0x38;
	[tilespmem:$0x1D980] =	vst v63  }
0x81: {  	_ =	swait.ge [sflag:s29], $0x2800  }
0x82: {  	[sflag:s29] =	ssyncset.done $0x0  }
0x83: {  	[sflag:s29] =	ssyncadd.s32 $0xFFFFD800  }
0x84: {  	_ =	swait.ge [sflag:s30], $0x50  }
0x85: {  	[sflag:s30] =	ssyncset.done $0x0  }
0x86: {  	[sflag:s30] =	ssyncadd.s32 $0xFFFFFFB0  }
0x87: {  	[spmem:s3] =	stream.indirect.scatter.add.f32 [tilespmem:s24], [sflag:$0x4], $0x80, s25, s23, $0xb8;
	[tilespmem:$0x1D980] =	vst v63  }
.Ltmp0:
0x88: {  	_ =	swait.ge [sflag:s13], $0x2800;
	(pc) =	sbr.rel @p1 .LBB2_2-.Ltmp0, $4  }
0x89: {  	[sflag:s13] =	ssyncset.done $0x0  }
0x8a: {  	s18 =	sadd.s32 $0x190, s18;
	[sflag:s13] =	ssyncadd.s32 $0xFFFFD800  }
0x8b: {  	[tilespmem:s2], [sflag:$0x3] =	stream.indirect.gather [hbm4b:s1+s23], $0x80, s18, s23, $0xb8;
	[tilespmem:$0x1D980] =	vst v63  }
0x8c: {  	s9 =	sadd.s32 $0x1E, s9;
	s6 =	sadd.s32 $0xF0, s6;
	s20 =	sadd.s32 $0x1E, s20  }
0x8d: {  	[tilespmem:s0], [sflag:$0x9] =	stream.linear.gather [hbm4b:s17+s4], $0x50, $0x38;
	[tilespmem:$0x1D980] =	vst v63  }
0x8e: {  	_ =	swait.ge [sflag:s31], $0x2800  }
0x8f: {  	[sflag:s31] =	ssyncset.done $0x0  }
0x90: {  	[sflag:s31] =	ssyncadd.s32 $0xFFFFD800  }
0x91: {  	_ =	swait.ge [sflag:s7], $0x50  }
0x92: {  	[sflag:s7] =	ssyncset.done $0x0  }
0x93: {  	[sflag:s7] =	ssyncadd.s32 $0xFFFFFFB0  }
0x94: {  	[spmem:s3] =	stream.indirect.scatter.add.f32 [tilespmem:s26], [sflag:$0x5], $0x80, s28, s23, $0xb8;
	[tilespmem:$0x1D980] =	vst v63  }
0x95: {  	_ =	swait.ge [sflag:s8], $0x2800  }
0x96: {  	[sflag:s8] =	ssyncset.done $0x0  }
0x97: {  	s6 =	simm.s32 $0x2670;
	[sflag:s8] =	ssyncadd.s32 $0xFFFFD800  }
0x98: {  	[tilespmem:s24], [sflag:$0x1] =	stream.indirect.gather [hbm4b:s1+s23], $0x80, s6, s23, $0xb8;
	[tilespmem:$0x1D980] =	vst v63  }
0x99: {  	s19 =	rddreg [dreg:$0xa]  }
0x9a: {  	[tilespmem:s25], [sflag:$0x7] =	stream.linear.gather [hbm4b:s19+s4], $0x50, $0x38;
	[tilespmem:$0x1D980] =	vst v63  }
0x9b: {  	_ =	swait.ge [sflag:s10], $0x2800  }
0x9c: {  	[sflag:s10] =	ssyncset.done $0x0  }
0x9d: {  	[sflag:s10] =	ssyncadd.s32 $0xFFFFD800  }
0x9e: {  	_ =	swait.ge [sflag:s11], $0x50  }
0x9f: {  	[sflag:s11] =	ssyncset.done $0x0  }
0xa0: {  	[sflag:s11] =	ssyncadd.s32 $0xFFFFFFB0  }
0xa1: {  	[spmem:s3] =	stream.indirect.scatter.add.f32 [tilespmem:s2], [sflag:$0x6], $0x80, s0, s23, $0xb8;
	[tilespmem:$0x1D980] =	vst v63  }
0xa2: {  	_ =	swait.ge [sflag:s12], $0x2800  }
0xa3: {  	[sflag:s12] =	ssyncset.done $0x0  }
0xa4: {  	s20 =	simm.s32 $0x26C0;
	[sflag:s12] =	ssyncadd.s32 $0xFFFFD800  }
0xa5: {  	[tilespmem:s26], [sflag:$0x2] =	stream.indirect.gather [hbm4b:s1+s23], $0x80, s20, s23, $0xb8;
	[tilespmem:$0x1D980] =	vst v63  }
0xa6: {  	s21 =	rddreg [dreg:$0xb]  }
0xa7: {  	[tilespmem:s28], [sflag:$0x8] =	stream.linear.gather [hbm4b:s21+s4], $0x50, $0x38;
	[tilespmem:$0x1D980] =	vst v63  }
0xa8: {  	_ =	swait.ge [sflag:s29], $0x2800  }
0xa9: {  	[sflag:s29] =	ssyncset.done $0x0  }
0xaa: {  	[sflag:s29] =	ssyncadd.s32 $0xFFFFD800  }
0xab: {  	_ =	swait.ge [sflag:s30], $0x50  }
0xac: {  	[sflag:s30] =	ssyncset.done $0x0  }
0xad: {  	[sflag:s30] =	ssyncadd.s32 $0xFFFFFFB0  }
0xae: {  	[spmem:s3] =	stream.indirect.scatter.add.f32 [tilespmem:s24], [sflag:$0x4], $0x80, s25, s23, $0xb8;
	[tilespmem:$0x1D980] =	vst v63  }
0xaf: {  	_ =	swait.ge [sflag:s13], $0x2800  }
0xb0: {  	[sflag:s13] =	ssyncset.done $0x0  }
0xb1: {  	[sflag:s13] =	ssyncadd.s32 $0xFFFFD800  }
0xb2: {  	_ =	swait.ge [sflag:s31], $0x2800  }
0xb3: {  	[sflag:s31] =	ssyncset.done $0x0  }
0xb4: {  	[sflag:s31] =	ssyncadd.s32 $0xFFFFD800  }
0xb5: {  	_ =	swait.ge [sflag:s7], $0x50  }
0xb6: {  	[sflag:s7] =	ssyncset.done $0x0  }
0xb7: {  	[sflag:s7] =	ssyncadd.s32 $0xFFFFFFB0  }
0xb8: {  	[spmem:s3] =	stream.indirect.scatter.add.f32 [tilespmem:s26], [sflag:$0x5], $0x80, s28, s23, $0xb8;
	[tilespmem:$0x1D980] =	vst v63  }
0xb9: {  	_ =	swait.ge [sflag:s8], $0x2800  }
0xba: {  	[sflag:s8] =	ssyncset.done $0x0  }
0xbb: {  	[sflag:s8] =	ssyncadd.s32 $0xFFFFD800  }
0xbc: {  	_ =	swait.ge [sflag:s12], $0x2800  }
0xbd: {  	[sflag:s12] =	ssyncset.done $0x0  }
0xbe: {  	[sflag:s12] =	ssyncadd.s32 $0xFFFFD800  }
0xbf: {  	[bflag:$0x0] =	sbarrier.arrive $0xFFFF  }
0xc0: {  	s9 =	rddreg [dreg:$0xd]  }
0xc1: {  	s6 =	simm.s32 @p0 $0x1FCA;
	s16 =	rddreg [dreg:$0x12]  }
0xc2: {  	[hbm:s9], [sflag:s6] =	dma.local @p0 [spmem:s16], $0x2080  }
0xc3: {  	s6 =	simm.s32 @p0 $0xA  }
0xc4: {  	_ =	swait.ge @p0 [sflag:s6], $0x2080  }
0xc5: {  	[sflag:s6] =	ssyncset.done @p0 $0x0  }
0xc6: {  	[sflag:s6] =	ssyncadd.s32 @p0 $0xFFFFDF80;
	s6 =	rddreg [dreg:$0xc]  }
0xc7: {  	[hbm:s6], [sflag:s22] =	dma.local @!p0 [spmem:s15], $0x2780  }
0xc8: {  	s6 =	simm.s32 @!p0 $0xA  }
0xc9: {  	_ =	swait.ge @!p0 [sflag:s6], $0x2780  }
0xca: {  	s17 =	smov.u32 s22;
	s14 =	sadd.s32 $0x1, s14;
	s22 =	rddreg [dreg:$0xe]  }
0xcb: {  	p1 =	sne.s32 s14, s22  }
.Ltmp1:
0xcc: {  	_ = 	snop;
	(pc) =	sbr.rel @p1 .LBB2_1-.Ltmp1, $3  }
0xcd: {  	_ =	sdelay $0x1  }
0xce: {  	[sflag:s6] =	ssyncset.done @!p0 $0x0  }
0xcf: {  	[sflag:s6] =	ssyncadd.s32 @!p0 $0xFFFFD880  }
0xd0: {  	_ =	sfence.sel $0x180000  }
0xd1: {  	[bflag:$0x0] =	sbarrier.arrive $0xFFFF  }
0xd2: {  	_ =	strace $0x9000004A  }
0xd3: {  	s0 =	stileid.u32;
	[bflag:$0x2] =	sbarrier.arrive $0xFFFF  }
0xd4: {  	p0 =	sne.s32 s0, $0x0;
	s0 =	rddreg [dreg:$0x3]  }
0xd5: {  	s0 =	sadd.s32 @!p0 $0x100000, s0  }
0xd6: {  	[sflag:s0] =	ssyncadd.tile.s32 @!p0 $0x1;
	_ =	shalt  }
.Lfunc_end2:
_tile_overlayer_lowered:
.L_overlay_start_2:
0xd7: {  	(tag) =	ssettag $0x2  }
0xd8: {  	s0 =	rddreg [dreg:$0x0];
	s2 =	stileid.u32  }
0xd9: {  	s1 =	rddreg [dreg:$0x1];
	p0 =	sne.s32 s2, $0x0  }
0xda: {  	s3 =	rddreg [dreg:$0x2];
	[bflag:$0x3] =	sbarrier.arrive $0xFFFF;
	s2 =	simm.s32 @!p0 $0x1C0A  }
0xdb: {  	[timem:s3], [sflag:s2] =	dma.local @!p0 [hbm:s0], s1  }
0xdc: {  	s0 =	simm.s32 @!p0 $0xA  }
0xdd: {  	_ =	swait.ge @!p0 [sflag:s0], s1  }
0xde: {  	s1 =	ssub.s32 @!p0 $0x0, s1;
	[sflag:s0] =	ssyncset.done @!p0 $0x0  }
0xdf: {  	[sflag:s0] =	ssyncadd.s32 @!p0 s1  }
0xe0: {  	[bflag:$0x3] =	sbarrier.arrive $0xFFFF  }
0xe1: {  	_ =	shalt  }

// kernel: kernel.14.cloned.1.call-start
scs
__scs_entry_jumppad:
0x0: {  	(pc) =	sbr.rel $0x88, $3  }
0x1: {  	(tag) =	ssettag $0x0;
	lr =	simm.s32 $0x1  }
0x2: {  	[smem:$0x3F99] =	sst lr;
	_ =	strace $0xD0000000  }
0x3: {  	_ = 	snop  }
0x4: {  	_ = 	snop  }
0x5: {  	_ = 	snop  }
0x6: {  	_ = 	snop  }
0x7: {  	_ = 	snop  }
__scs_overlays_trampoline_lowered:
0x8: {  	[smem:$0x3FA8] =	sst s0  }
0x9: {  	[smem:$0x3FA9] =	sst s1  }
0xa: {  	[smem:$0x3FAA] =	sst s2  }
0xb: {  	[smem:$0x3FAB] =	sst s3  }
0xc: {  	[smem:$0x3FAC] =	sst s4  }
0xd: {  	[smem:$0x3FAD] =	sst s5  }
0xe: {  	[smem:$0x3FAE] =	sst s6  }
0xf: {  	[smem:$0x3FAF] =	sst s7  }
0x10: {  	[smem:$0x3FB0] =	sst s8  }
0x11: {  	[smem:$0x3FB1] =	sst s9;
	s0 =	simm.s32 @!p0 $0x0  }
0x12: {  	s1 =	sld [smem:$0x3F97];
	s0 =	simm.s32 @p0 $0x1  }
0x13: {  	[smem:$0x3FB2] =	sst s0;
	s0 =	simm.s32 @!p1 $0x0  }
0x14: {  	s2 =	sld [smem:$0x3F96];
	s0 =	simm.s32 @p1 $0x1  }
0x15: {  	[smem:$0x3FB3] =	sst s0;
	s0 =	simm.s32 @!p2 $0x0  }
0x16: {  	s3 =	sld [smem:$0x3FDB];
	s0 =	simm.s32 @p2 $0x1  }
0x17: {  	s4 =	simm.s32 $0x1BF5;
	[smem:$0x3FB5] =	sst s0  }
0x18: {  	s0 =	sld [smem:$0x3F98];
	_ =	swait.ge [sflag:s4], $0x0  }
0x19: {  	s7 =	sld [smem:$0x3F99]  }
0x1a: {  	s8 =	sadd.s32 $0xFFFFE003, lr  }
0x1b: {  	s9 =	sadd.s32 $0xFFFFFEF7, lr;
	s5 =	simm.s32 $0xFFFFFFFF;
	p2 =	slt.u32 s8, $0xFFFFF086  }
0x1c: {  	p1 =	slt.u32 s9, $0xF7A;
	s5 =	simm.s32 @!p2 $0x0  }
0x1d: {  	s5 =	simm.s32 @p1 $0x1;
	p0 =	seq.s32 s7, s2  }
0x1e: {  	s7 =	smul.u32 @!p0 $0xF7A, s2;
	p2 =	seq.s32 @!p0 s5, $0x0  }
0x1f: {  	s9 =	smul.u32 $0xF7A, s1;
	s8 =	simm.s32 @!p0 $0x1BF5;
	p2 =	por !p2, p0  }
0x20: {  	[sflag:s8] =	ssyncset.s32 @!p0 $0xFFFFF086;
	s6 =	sadd.s32 @!p0 s3, s7;
	s7 =	simm.s32 @!p0 $0x108  }
0x21: {  	s3 =	sadd.s32 s3, s9;
	s6 =	sadd.s32 @!p0 $0x88, s6;
	s7 =	simm.s32 @p2 $0x1082  }
0x22: {  	[simem:s7], [sflag:s8] =	dma.local @!p0 [hbm:s6], $0xF7A  }
0x23: {  	s9 =	sor.u32 $0xD0000000, s2;
	s6 =	simm.s32 $0x108;
	_ =	swait.ge @!p0 [sflag:s8], $0x0  }
0x24: {  	s3 =	sadd.s32 $0x88, s3;
	s6 =	simm.s32 @!p1 $0x1082;
	[sflag:s4] =	ssyncset.s32 $0xFFFFF086  }
0x25: {  	[simem:s6], [sflag:s4] =	dma.local [hbm:s3], $0xF7A  }
0x26: {  	[smem:$0x3F99] =	sst s1;
	(tag) =	ssettag s2;
	_ =	strace s9  }
0x27: {  	s1 =	sld [smem:$0x3FA9]  }
0x28: {  	s2 =	sld [smem:$0x3FAA]  }
0x29: {  	s4 =	sld [smem:$0x3FAC]  }
0x2a: {  	p0 =	seq.s32 s5, $0x0;
	s5 =	sld [smem:$0x3FAD]  }
0x2b: {  	s6 =	sld [smem:$0x3FAE]  }
0x2c: {  	s7 =	sld [smem:$0x3FAF]  }
0x2d: {  	s3 =	simm.s32 $0x108;
	s8 =	sld [smem:$0x3FB0]  }
0x2e: {  	s3 =	simm.s32 @!p0 $0x1082;
	s9 =	sld [smem:$0x3FB1]  }
0x2f: {  	lr =	sadd.s32 s0, s3;
	s0 =	sld [smem:$0x3FA8]  }
0x30: {  	s3 =	sld [smem:$0x3FAB]  }
0x31: {  	[smem:$0x3FB4] =	sst s10  }
0x32: {  	s10 =	sld [smem:$0x3FB2];
	_ =	sdelay $0x3  }
0x33: {  	p0 =	seq.s32 s10, $0x1;
	s10 =	sld [smem:$0x3FB4];
	_ =	sdelay $0x3  }
0x34: {  	[smem:$0x3FB4] =	sst s10  }
0x35: {  	s10 =	sld [smem:$0x3FB3];
	_ =	sdelay $0x3  }
0x36: {  	p1 =	seq.s32 s10, $0x1;
	s10 =	sld [smem:$0x3FB4];
	_ =	sdelay $0x3  }
0x37: {  	[smem:$0x3FB4] =	sst s10  }
0x38: {  	s10 =	sld [smem:$0x3FB5]  }
0x39: {  	_ = 	snop;
	(pc) =	sbr.ind lr, $3  }
0x3a: {  	_ = 	snop  }
0x3b: {  	_ = 	snop  }
0x3c: {  	p2 =	seq.s32 s10, $0x1;
	s10 =	sld [smem:$0x3FB4]  }
0x3d: {  	_ =	shalt  }
0x3e: {  	_ =	shalt  }
0x3f: {  	_ =	shalt  }
0x40: {  	_ =	shalt  }
0x41: {  	_ =	shalt  }
0x42: {  	_ =	shalt  }
0x43: {  	_ =	shalt  }
0x44: {  	_ =	shalt  }
0x45: {  	_ =	shalt  }
0x46: {  	_ =	shalt  }
0x47: {  	_ =	shalt  }
0x48: {  	_ =	shalt  }
0x49: {  	_ =	shalt  }
0x4a: {  	_ =	shalt  }
0x4b: {  	_ =	shalt  }
0x4c: {  	_ =	shalt  }
0x4d: {  	_ =	shalt  }
0x4e: {  	_ =	shalt  }
0x4f: {  	_ =	shalt  }
0x50: {  	_ =	shalt  }
0x51: {  	_ =	shalt  }
0x52: {  	_ =	shalt  }
0x53: {  	_ =	shalt  }
0x54: {  	_ =	shalt  }
0x55: {  	_ =	shalt  }
0x56: {  	_ =	shalt  }
0x57: {  	_ =	shalt  }
0x58: {  	_ =	shalt  }
0x59: {  	_ =	shalt  }
0x5a: {  	_ =	shalt  }
0x5b: {  	_ =	shalt  }
0x5c: {  	_ =	shalt  }
0x5d: {  	_ =	shalt  }
0x5e: {  	_ =	shalt  }
0x5f: {  	_ =	shalt  }
0x60: {  	_ =	shalt  }
0x61: {  	_ =	shalt  }
0x62: {  	_ =	shalt  }
0x63: {  	_ =	shalt  }
0x64: {  	_ =	shalt  }
0x65: {  	_ =	shalt  }
0x66: {  	_ =	shalt  }
0x67: {  	_ =	shalt  }
0x68: {  	_ =	shalt  }
0x69: {  	_ =	shalt  }
0x6a: {  	_ =	shalt  }
0x6b: {  	_ =	shalt  }
0x6c: {  	_ =	shalt  }
0x6d: {  	_ =	shalt  }
0x6e: {  	_ =	shalt  }
0x6f: {  	_ =	shalt  }
0x70: {  	_ =	shalt  }
0x71: {  	_ =	shalt  }
0x72: {  	_ =	shalt  }
0x73: {  	_ =	shalt  }
0x74: {  	_ =	shalt  }
0x75: {  	_ =	shalt  }
0x76: {  	_ =	shalt  }
0x77: {  	_ =	shalt  }
0x78: {  	_ =	shalt  }
0x79: {  	_ =	shalt  }
0x7a: {  	_ =	shalt  }
0x7b: {  	_ =	shalt  }
0x7c: {  	_ =	shalt  }
0x7d: {  	_ =	shalt  }
0x7e: {  	_ =	shalt  }
0x7f: {  	_ =	shalt  }
0x80: {  	_ =	shalt  }
0x81: {  	_ =	shalt  }
0x82: {  	_ =	shalt  }
0x83: {  	_ =	shalt  }
0x84: {  	_ =	shalt  }
0x85: {  	_ =	shalt  }
0x86: {  	_ =	shalt  }
0x87: {  	_ =	shalt  }
.Lfunc_end0:
.L_simem_size_0:
called_computation.2_lowered:
.L_overlay_start_0:
0x88: {  	s2 =	sld [smem:$0x3FD9]  }
0x89: {  	s3 =	sld [smem:$0x3FFE];
	_ =	sdelay $0x1  }
0x8a: {  	s1 =	srdreg.scid  }
0x8b: {  	s0 =	sand.u32 $0x1, s1  }
0x8c: {  	s17 =	sshll.u32 s0, $0xA;
	s2 =	sadd.s32 s3, s2  }
0x8d: {  	s2 =	sadd.s32 s2, s17  }
0x8e: {  	[smem:$0x3FC0] =	sst s2  }
0x8f: {  	_ = 	snop  }
0x90: {  	s2 =	sld [smem:$0x3FD0];
	(tm) =	ssettm $0x1  }
0x91: {  	s18 =	sld [smem:$0x3FFB];
	_ =	sdelay $0x3  }
0x92: {  	_ =	strace s18  }
0x93: {  	s3 =	sld [smem:$0x3FFC];
	_ =	sdelay $0x3  }
0x94: {  	_ =	strace s3  }
0x95: {  	s3 =	sld [smem:$0x3FFD];
	_ =	sdelay $0x3  }
0x96: {  	_ =	strace s3  }
0x97: {  	_ =	strace $0x8FFFFFFF  }
0x98: {  	s19 =	sld [smem:$0x3FDB];
	_ =	sdelay $0x1  }
0x99: {  	s4 =	simm.s32 $_scs_section_size  }
0x9a: {  	s5 =	simm.s32 $_size__tile_overlayer_lowered;
	s6 =	simm.s32 $_tile_overlayer_lowered  }
0x9b: {  	s22 =	simm.s32 $0x1BFF;
	s21 =	sshll.u32 s6, $0x1;
	s3 =	sadd.s32 s4, s19  }
0x9c: {  	s7 =	simm.s32 $0x0;
	s20 =	sshll.u32 s5, $0x1;
	s5 =	sadd.s32 s21, s3  }
0x9d: {  	[timem:s7], [sflag:s22] =	dma.local [hbm:s5], s20  }
0x9e: {  	_ =	swait.ge [sflag:s22], s20  }
0x9f: {  	s4 =	ssub.s32 $0x0, s20;
	[sflag:s22] =	ssyncset.done $0x0  }
0xa0: {  	[sflag:s22] =	ssyncadd.s32 s4;
	_ =	sdelay $0x1  }
0xa1: {  	s23 =	simm.s32 $0x1B8B  }
0xa2: {  	_ =	swait.ge [sflag:s23], $0x1  }
0xa3: {  	[sflag:s23] =	ssyncset.done $0x0  }
0xa4: {  	s25 =	simm.s32 $0x1B8E;
	s24 =	sld [smem:$0x3FFE];
	[sflag:s23] =	ssyncadd.s32 $0xFFFFFFFF  }
0xa5: {  	s26 =	simm.s32 $execute0_lowered;
	[smem:$0x3FD2] =	sst s25  }
0xa6: {  	s5 =	sshll.u32 s26, $0x1;
	_ =	strace $0x8000004C;
	[dreg:$0x1] =	wrdreg $0xFFFFFFFF  }
0xa7: {  	s28 =	simm.s32 $_size_execute0_lowered;
	s3 =	sadd.s32 s3, s5;
	[dreg:$0x0] =	wrdreg $0x0  }
0xa8: {  	s5 =	sshll.u32 s28, $0x1;
	[dreg:$0x2] =	wrdreg s3  }
0xa9: {  	[dreg:$0x3] =	wrdreg s5  }
0xaa: {  	[dreg:$0x4] =	wrdreg $0xC0  }
0xab: {  	_ =	task [dreg:s7], $0x5FFFF  }
0xac: {  	[dreg:$0x1] =	wrdreg $0xFFFFFFFF  }
0xad: {  	[dreg:$0x0] =	wrdreg $0x60  }
0xae: {  	[dreg:$0x2] =	wrdreg s2  }
0xaf: {  	[dreg:$0x3] =	wrdreg s24  }
0xb0: {  	[dreg:$0x4] =	wrdreg $0xA1000  }
0xb1: {  	[dreg:$0x5] =	wrdreg $0x9  }
0xb2: {  	_ =	task.clear_ibuf [dreg:s7], $0x6FFFF;
	_ =	strace $0x9000004C  }
0xb3: {  	s29 =	simm.s32 $0x9;
	_ =	strace $0x8000004E  }
0xb4: {  	_ =	swait.ge [sflag:s29], $0x1  }
0xb5: {  	[sflag:s29] =	ssyncadd.s32 $0xFFFFFFFF  }
0xb6: {  	_ =	strace $0x9000004E  }
0xb7: {  	_ =	sfence  }
0xb8: {  	s30 =	sld [smem:$0x0];
	_ =	sdelay $0x2  }
0xb9: {  	s31 =	sshll.u32 s1, $0xD;
	s1 =	sshrl.u32 s1, $0x2  }
0xba: {  	s3 =	sand.u32 $0x4000, s31;
	s1 =	sadd.s32 s1, s30  }
0xbb: {  	s0 =	sor.u32 s3, s0;
	s1 =	sshll.u32 s1, $0x11  }
0xbc: {  	s0 =	sor.u32 s1, s0  }
0xbd: {  	s0 =	sadd.s32 $0x8F2B, s0  }
0xbe: {  	[sflag:s0] =	ssyncadd.remote.s32 $0x1  }
0xbf: {  	_ =	sfence.sel $0xFFFF  }
0xc0: {  	[dreg:$0x0] =	wrdreg $0xFFFFFFFF;
	(pc) =	sbr.abs _section_cstart, $3  }
0xc1: {  	[dreg:$0x1] =	wrdreg $0xFFFFFFFF  }
0xc2: {  	_ =	task.clear_ibuf [dreg:s7], $0x2FFFF;
	_ =	strace $0x9FFFFFFF  }
0xc3: {  	(tm) =	ssettm $0x7FFFFFFF  }
tec
execute0_lowered:
.L_overlay_start_1:
0x0: {  	(tag) =	ssettag $0x1  }
0x1: {  	s0 =	srdreg.scid;
	s1 =	rddreg [dreg:$0x0]  }
0x2: {  	s11 =	stileid.u32;
	s6 =	rddreg [dreg:$0x1]  }
0x3: {  	s3 =	rddreg [dreg:$0x2];
	s4 =	simm.s32 $0x0;
	s28 =	simm.s32 $0x2800  }
0x4: {  	s29 =	simm.s32 $0x1;
	s30 =	simm.s32 $0x7;
	s31 =	simm.s32 $0x2  }
0x5: {  	s0 =	sand.u32 $0x1, s0;
	[smem:$0x7FF] =	sst s4;
	s9 =	smul.u32 $0x4F000, s11  }
0x6: {  	s5 =	sadd.s32 $0xCA00, s6;
	s10 =	sadd.s32 $0x16800, s6;
	s17 =	smul.u32 $0x13C00, s11  }
0x7: {  	s19 =	smul.u32 $0x2710, s11;
	p0 =	seq.s32 s11, $0xF;
	s2 =	sshll.u32 s0, $0x4  }
0x8: {  	_ =	strace $0x8000004D;
	s8 =	ssub.s32 $0x2, s0;
	s15 =	smul.u32 $0x138800, s0  }
0x9: {  	[dreg:$0x4] =	wrdreg s10;
	s0 =	smul.u32 $0x27100, s0;
	s2 =	sor.u32 s11, s2  }
0xa: {  	s14 =	sshrl.u32 s8, $0x1;
	s9 =	sshrl.u32 s9, $0x2;
	s2 =	smul.u32 $0x2710, s2  }
0xb: {  	s8 =	ssub.s32 s8, s14;
	s16 =	sadd.s32 s9, s3;
	s9 =	sadd.s32 $0x128400, s3  }
0xc: {  	s10 =	sshrl.u32 s15, $0x3;
	s0 =	sadd.s32 s19, s0;
	s14 =	simm.s32 $0x0  }
0xd: {  	[dreg:$0x6] =	wrdreg s16;
	s22 =	sadd.s32 $0x190, s0;
	s24 =	sadd.s32 $0x140, s0  }
0xe: {  	s25 =	smax.u32 s8, $0x1;
	s0 =	sadd.s32 $0xF0, s0;
	s16 =	sshrl.u32 @p0 s9, $0x3  }
0xf: {  	s8 =	simm.s32 $0x4;
	s2 =	sshrl.u32 s2, $0x3;
	[dreg:$0xe] =	wrdreg s25  }
0x10: {  	s23 =	sshrl.u32 s22, $0x3;
	s26 =	sshrl.u32 s24, $0x3;
	[dreg:$0x11] =	wrdreg s0  }
0x11: {  	[dreg:$0x12] =	wrdreg s16;
	s7 =	sadd.s32 s2, s6;
	s12 =	sadd.s32 s5, s2  }
0x12: {  	s0 =	sshll.u32 @!p0 s11, $0x6;
	s7 =	sadd.s32 $0x2C00, s7;
	[dreg:$0x7] =	wrdreg s12  }
0x13: {  	s24 =	simm.s32 $0x2900;
	s2 =	sadd.s32 $0xA, s12;
	[dreg:$0x5] =	wrdreg s7  }
0x14: {  	s25 =	simm.s32 $0x2780;
	s18 =	sadd.s32 $0x14, s12;
	[dreg:$0x8] =	wrdreg s2  }
0x15: {  	s11 =	simm.s32 $0x9;
	s13 =	sadd.s32 $0x4CE, s12;
	[dreg:$0x9] =	wrdreg s18  }
0x16: {  	s6 =	sadd.s32 $0x19000, s6;
	s12 =	sadd.s32 $0x4D8, s12;
	[dreg:$0xa] =	wrdreg s13  }
0x17: {  	s21 =	sadd.s32 s6, s10;
	s10 =	simm.s32 $0x3;
	[dreg:$0xb] =	wrdreg s12  }
0x18: {  	s7 =	sadd.s32 s17, s15;
	s2 =	sadd.s32 $0x25080, s21;
	s17 =	sor.u32 @!p0 $0x1C0A, s0  }
0x19: {  	s0 =	simm.s32 $0x2880;
	s12 =	simm.s32 $0x5;
	s13 =	simm.s32 $0x6  }
0x1a: {  	s7 =	sshrl.u32 s7, $0x3;
	[dreg:$0xd] =	wrdreg s2;
	s2 =	sadd.s32 s23, s5  }
0x1b: {  	s23 =	simm.s32 $0x50;
	s20 =	sadd.s32 s6, s7;
	[dreg:$0xf] =	wrdreg s2  }
0x1c: {  	s2 =	sadd.s32 s26, s5;
	s26 =	simm.s32 $0x5100;
	[dreg:$0xc] =	wrdreg s20  }
0x1d: {  	s7 =	simm.s32 $0x8;
	[dreg:$0x10] =	wrdreg s2;
	s2 =	simm.s32 $0x7900  }
.LBB2_1:
0x1e: {  	s6 =	rddreg [dreg:$0x5];
	s18 =	simm.s32 $0xA  }
0x1f: {  	[tilespmem:s4], [sflag:$0xA] =	stream.linear.gather [hbm4b:s6+s4], $0x2710, $0x38;
	[tilespmem:$0x1D980] =	vst v63  }
0x20: {  	_ =	swait.ge [sflag:s18], $0x2710  }
0x21: {  	[sflag:s18] =	ssyncset.done $0x0  }
0x22: {  	s6 =	simm.s32 @p0 $0x1FCA;
	s9 =	rddreg [dreg:$0x4];
	[sflag:s18] =	ssyncadd.s32 $0xFFFFD8F0  }
0x23: {  	[spmem:s16], [sflag:s6] =	dma.local @p0 [hbm:s9], $0x2080  }
0x24: {  	s6 =	simm.s32 @p0 $0xA  }
0x25: {  	_ =	swait.ge @p0 [sflag:s6], $0x2080  }
0x26: {  	[sflag:s6] =	ssyncset.done @p0 $0x0  }
0x27: {  	[sflag:s6] =	ssyncadd.s32 @p0 $0xFFFFDF80;
	s6 =	rddreg [dreg:$0x6]  }
0x28: {  	s15 =	sshrl.u32 @!p0 s6, $0x3;
	s6 =	simm.s32 @!p0 $0xA  }
0x29: {  	[spmem:s15], [sflag:s17] =	dma.local @!p0 [hbm:s9], $0x2780  }
0x2a: {  	_ =	swait.ge @!p0 [sflag:s6], $0x2780  }
0x2b: {  	[sflag:s6] =	ssyncset.done @!p0 $0x0  }
0x2c: {  	[sflag:s6] =	ssyncadd.s32 @!p0 $0xFFFFD880  }
0x2d: {  	[bflag:$0x0] =	sbarrier.arrive $0xFFFF  }
0x2e: {  	[tilespmem:s24], [sflag:$0x1] =	stream.indirect.gather [hbm4b:s1+s23], $0x80, s4, s23, $0xb8;
	[tilespmem:$0x1D980] =	vst v63  }
0x2f: {  	s19 =	rddreg [dreg:$0x7]  }
0x30: {  	[tilespmem:s25], [sflag:$0x7] =	stream.linear.gather [hbm4b:s19+s4], $0x50, $0x38;
	[tilespmem:$0x1D980] =	vst v63  }
0x31: {  	_ = 	snop  }
0x32: {  	[tilespmem:s26], [sflag:$0x2] =	stream.indirect.gather [hbm4b:s1+s23], $0x80, s23, s23, $0xb8;
	[tilespmem:$0x1D980] =	vst v63  }
0x33: {  	s20 =	rddreg [dreg:$0x8]  }
0x34: {  	[tilespmem:s28], [sflag:$0x8] =	stream.linear.gather [hbm4b:s20+s4], $0x50, $0x38;
	[tilespmem:$0x1D980] =	vst v63  }
0x35: {  	_ =	swait.ge [sflag:s29], $0x2800  }
0x36: {  	[sflag:s29] =	ssyncset.done $0x0  }
0x37: {  	[sflag:s29] =	ssyncadd.s32 $0xFFFFD800  }
0x38: {  	_ =	swait.ge [sflag:s30], $0x50  }
0x39: {  	[sflag:s30] =	ssyncset.done $0x0  }
0x3a: {  	[sflag:s30] =	ssyncadd.s32 $0xFFFFFFB0  }
0x3b: {  	[spmem:s3] =	stream.indirect.scatter.add.f32 [tilespmem:s24], [sflag:$0x4], $0x80, s25, s23, $0xb8;
	[tilespmem:$0x1D980] =	vst v63  }
0x3c: {  	s21 =	simm.s32 $0xA0  }
0x3d: {  	[tilespmem:s2], [sflag:$0x3] =	stream.indirect.gather [hbm4b:s1+s23], $0x80, s21, s23, $0xb8;
	[tilespmem:$0x1D980] =	vst v63  }
0x3e: {  	s9 =	rddreg [dreg:$0x9]  }
0x3f: {  	[tilespmem:s0], [sflag:$0x9] =	stream.linear.gather [hbm4b:s9+s4], $0x50, $0x38;
	[tilespmem:$0x1D980] =	vst v63  }
0x40: {  	_ =	swait.ge [sflag:s31], $0x2800  }
0x41: {  	[sflag:s31] =	ssyncset.done $0x0  }
0x42: {  	[sflag:s31] =	ssyncadd.s32 $0xFFFFD800  }
0x43: {  	_ =	swait.ge [sflag:s7], $0x50  }
0x44: {  	[sflag:s7] =	ssyncset.done $0x0  }
0x45: {  	[sflag:s7] =	ssyncadd.s32 $0xFFFFFFB0  }
0x46: {  	[spmem:s3] =	stream.indirect.scatter.add.f32 [tilespmem:s26], [sflag:$0x5], $0x80, s28, s23, $0xb8;
	[tilespmem:$0x1D980] =	vst v63  }
0x47: {  	_ =	swait.ge [sflag:s8], $0x2800  }
0x48: {  	s22 =	smov.u32 s17;
	[sflag:s8] =	ssyncset.done $0x0;
	s19 =	rddreg [dreg:$0x11]  }
0x49: {  	s16 =	simm.s32 $0xF0;
	[sflag:s8] =	ssyncadd.s32 $0xFFFFD800;
	s17 =	sshrl.u32 s19, $0x3  }
0x4a: {  	[tilespmem:s24], [sflag:$0x1] =	stream.indirect.gather [hbm4b:s1+s23], $0x80, s16, s23, $0xb8;
	[tilespmem:$0x1D980] =	vst v63  }
0x4b: {  	s18 =	sadd.s32 s5, s17  }
0x4c: {  	[tilespmem:s25], [sflag:$0x7] =	stream.linear.gather [hbm4b:s18+s4], $0x50, $0x38;
	[tilespmem:$0x1D980] =	vst v63  }
0x4d: {  	_ =	swait.ge [sflag:s10], $0x2800  }
0x4e: {  	[sflag:s10] =	ssyncset.done $0x0  }
0x4f: {  	[sflag:s10] =	ssyncadd.s32 $0xFFFFD800  }
0x50: {  	_ =	swait.ge [sflag:s11], $0x50  }
0x51: {  	[sflag:s11] =	ssyncset.done $0x0  }
0x52: {  	[sflag:s11] =	ssyncadd.s32 $0xFFFFFFB0  }
0x53: {  	[spmem:s3] =	stream.indirect.scatter.add.f32 [tilespmem:s2], [sflag:$0x6], $0x80, s0, s23, $0xb8;
	[tilespmem:$0x1D980] =	vst v63  }
0x54: {  	_ =	swait.ge [sflag:s12], $0x2800  }
0x55: {  	[sflag:s12] =	ssyncset.done $0x0  }
0x56: {  	s20 =	simm.s32 $0x140;
	[sflag:s12] =	ssyncadd.s32 $0xFFFFD800  }
0x57: {  	[tilespmem:s26], [sflag:$0x2] =	stream.indirect.gather [hbm4b:s1+s23], $0x80, s20, s23, $0xb8;
	[tilespmem:$0x1D980] =	vst v63  }
0x58: {  	s18 =	rddreg [dreg:$0x10]  }
0x59: {  	[tilespmem:s28], [sflag:$0x8] =	stream.linear.gather [hbm4b:s18+s4], $0x50, $0x38;
	[tilespmem:$0x1D980] =	vst v63  }
0x5a: {  	_ =	swait.ge [sflag:s29], $0x2800  }
0x5b: {  	[sflag:s29] =	ssyncset.done $0x0  }
0x5c: {  	[sflag:s29] =	ssyncadd.s32 $0xFFFFD800  }
0x5d: {  	_ =	swait.ge [sflag:s30], $0x50  }
0x5e: {  	[sflag:s30] =	ssyncset.done $0x0  }
0x5f: {  	[sflag:s30] =	ssyncadd.s32 $0xFFFFFFB0  }
0x60: {  	[spmem:s3] =	stream.indirect.scatter.add.f32 [tilespmem:s24], [sflag:$0x4], $0x80, s25, s23, $0xb8;
	[tilespmem:$0x1D980] =	vst v63  }
0x61: {  	s21 =	simm.s32 $0x190;
	s6 =	sadd.s32 $0xF0, s19;
	_ =	swait.ge [sflag:s13], $0x2800  }
0x62: {  	s16 =	simm.s32 $0x3C0;
	[sflag:s13] =	ssyncset.done $0x0;
	s17 =	rddreg [dreg:$0xf]  }
0x63: {  	s20 =	sadd.s32 $0x1E, s18;
	[sflag:s13] =	ssyncadd.s32 $0xFFFFD800;
	s9 =	sadd.s32 $0x1E, s17  }
0x64: {  	[tilespmem:s2], [sflag:$0x3] =	stream.indirect.gather [hbm4b:s1+s23], $0x80, s21, s23, $0xb8;
	[tilespmem:$0x1D980] =	vst v63  }
.LBB2_2:
0x65: {  	[tilespmem:s0], [sflag:$0x9] =	stream.linear.gather [hbm4b:s17+s4], $0x50, $0x38;
	[tilespmem:$0x1D980] =	vst v63  }
0x66: {  	s18 =	smov.u32 s16;
	s17 =	smov.u32 s9  }
0x67: {  	p1 =	sne.s32 s16, $0x9240;
	s16 =	sadd.s32 $0x3C0, s16;
	_ =	swait.ge [sflag:s31], $0x2800  }
0x68: {  	[sflag:s31] =	ssyncset.done $0x0  }
0x69: {  	[sflag:s31] =	ssyncadd.s32 $0xFFFFD800  }
0x6a: {  	_ =	swait.ge [sflag:s7], $0x50  }
0x6b: {  	[sflag:s7] =	ssyncset.done $0x0  }
0x6c: {  	[sflag:s7] =	ssyncadd.s32 $0xFFFFFFB0  }
0x6d: {  	[spmem:s3] =	stream.indirect.scatter.add.f32 [tilespmem:s26], [sflag:$0x5], $0x80, s28, s23, $0xb8;
	[tilespmem:$0x1D980] =	vst v63  }
0x6e: {  	_ =	swait.ge [sflag:s8], $0x2800  }
0x6f: {  	s18 =	sshra.s32 s18, $0x2;
	[sflag:s8] =	ssyncset.done $0x0  }
0x70: {  	s21 =	sshrl.u32 s6, $0x3;
	s19 =	sadd.s32 $0xF0, s18;
	[sflag:s8] =	ssyncadd.s32 $0xFFFFD800  }
0x71: {  	[tilespmem:s24], [sflag:$0x1] =	stream.indirect.gather [hbm4b:s1+s23], $0x80, s19, s23, $0xb8;
	[tilespmem:$0x1D980] =	vst v63  }
0x72: {  	s19 =	sadd.s32 s5, s21  }
0x73: {  	[tilespmem:s25], [sflag:$0x7] =	stream.linear.gather [hbm4b:s19+s4], $0x50, $0x38;
	[tilespmem:$0x1D980] =	vst v63  }
0x74: {  	_ =	swait.ge [sflag:s10], $0x2800  }
0x75: {  	[sflag:s10] =	ssyncset.done $0x0  }
0x76: {  	[sflag:s10] =	ssyncadd.s32 $0xFFFFD800  }
0x77: {  	_ =	swait.ge [sflag:s11], $0x50  }
0x78: {  	[sflag:s11] =	ssyncset.done $0x0  }
0x79: {  	[sflag:s11] =	ssyncadd.s32 $0xFFFFFFB0  }
0x7a: {  	[spmem:s3] =	stream.indirect.scatter.add.f32 [tilespmem:s2], [sflag:$0x6], $0x80, s0, s23, $0xb8;
	[tilespmem:$0x1D980] =	vst v63  }
0x7b: {  	_ =	swait.ge [sflag:s12], $0x2800  }
0x7c: {  	[sflag:s12] =	ssyncset.done $0x0  }
0x7d: {  	s19 =	sadd.s32 $0x140, s18;
	[sflag:s12] =	ssyncadd.s32 $0xFFFFD800  }
0x7e: {  	[tilespmem:s26], [sflag:$0x2] =	stream.indirect.gather [hbm4b:s1+s23], $0x80, s19, s23, $0xb8;
	[tilespmem:$0x1D980] =	vst v63  }
0x7f: {  	_ = 	snop  }
0x80: {  	[tilespmem:s28], [sflag:$0x8] =	stream.linear.gather [hbm4b:s20+s4], $0x50, $0x38;
	[tilespmem:$0x1D980] =	vst v63  }
0x81: {  	_ =	swait.ge [sflag:s29], $0x2800  }
0x82: {  	[sflag:s29] =	ssyncset.done $0x0  }
0x83: {  	[sflag:s29] =	ssyncadd.s32 $0xFFFFD800  }
0x84: {  	_ =	swait.ge [sflag:s30], $0x50  }
0x85: {  	[sflag:s30] =	ssyncset.done $0x0  }
0x86: {  	[sflag:s30] =	ssyncadd.s32 $0xFFFFFFB0  }
0x87: {  	[spmem:s3] =	stream.indirect.scatter.add.f32 [tilespmem:s24], [sflag:$0x4], $0x80, s25, s23, $0xb8;
	[tilespmem:$0x1D980] =	vst v63  }
.Ltmp0:
0x88: {  	_ =	swait.ge [sflag:s13], $0x2800;
	(pc) =	sbr.rel @p1 .LBB2_2-.Ltmp0, $4  }
0x89: {  	[sflag:s13] =	ssyncset.done $0x0  }
0x8a: {  	s18 =	sadd.s32 $0x190, s18;
	[sflag:s13] =	ssyncadd.s32 $0xFFFFD800  }
0x8b: {  	[tilespmem:s2], [sflag:$0x3] =	stream.indirect.gather [hbm4b:s1+s23], $0x80, s18, s23, $0xb8;
	[tilespmem:$0x1D980] =	vst v63  }
0x8c: {  	s9 =	sadd.s32 $0x1E, s9;
	s6 =	sadd.s32 $0xF0, s6;
	s20 =	sadd.s32 $0x1E, s20  }
0x8d: {  	[tilespmem:s0], [sflag:$0x9] =	stream.linear.gather [hbm4b:s17+s4], $0x50, $0x38;
	[tilespmem:$0x1D980] =	vst v63  }
0x8e: {  	_ =	swait.ge [sflag:s31], $0x2800  }
0x8f: {  	[sflag:s31] =	ssyncset.done $0x0  }
0x90: {  	[sflag:s31] =	ssyncadd.s32 $0xFFFFD800  }
0x91: {  	_ =	swait.ge [sflag:s7], $0x50  }
0x92: {  	[sflag:s7] =	ssyncset.done $0x0  }
0x93: {  	[sflag:s7] =	ssyncadd.s32 $0xFFFFFFB0  }
0x94: {  	[spmem:s3] =	stream.indirect.scatter.add.f32 [tilespmem:s26], [sflag:$0x5], $0x80, s28, s23, $0xb8;
	[tilespmem:$0x1D980] =	vst v63  }
0x95: {  	_ =	swait.ge [sflag:s8], $0x2800  }
0x96: {  	[sflag:s8] =	ssyncset.done $0x0  }
0x97: {  	s6 =	simm.s32 $0x2670;
	[sflag:s8] =	ssyncadd.s32 $0xFFFFD800  }
0x98: {  	[tilespmem:s24], [sflag:$0x1] =	stream.indirect.gather [hbm4b:s1+s23], $0x80, s6, s23, $0xb8;
	[tilespmem:$0x1D980] =	vst v63  }
0x99: {  	s19 =	rddreg [dreg:$0xa]  }
0x9a: {  	[tilespmem:s25], [sflag:$0x7] =	stream.linear.gather [hbm4b:s19+s4], $0x50, $0x38;
	[tilespmem:$0x1D980] =	vst v63  }
0x9b: {  	_ =	swait.ge [sflag:s10], $0x2800  }
0x9c: {  	[sflag:s10] =	ssyncset.done $0x0  }
0x9d: {  	[sflag:s10] =	ssyncadd.s32 $0xFFFFD800  }
0x9e: {  	_ =	swait.ge [sflag:s11], $0x50  }
0x9f: {  	[sflag:s11] =	ssyncset.done $0x0  }
0xa0: {  	[sflag:s11] =	ssyncadd.s32 $0xFFFFFFB0  }
0xa1: {  	[spmem:s3] =	stream.indirect.scatter.add.f32 [tilespmem:s2], [sflag:$0x6], $0x80, s0, s23, $0xb8;
	[tilespmem:$0x1D980] =	vst v63  }
0xa2: {  	_ =	swait.ge [sflag:s12], $0x2800  }
0xa3: {  	[sflag:s12] =	ssyncset.done $0x0  }
0xa4: {  	s20 =	simm.s32 $0x26C0;
	[sflag:s12] =	ssyncadd.s32 $0xFFFFD800  }
0xa5: {  	[tilespmem:s26], [sflag:$0x2] =	stream.indirect.gather [hbm4b:s1+s23], $0x80, s20, s23, $0xb8;
	[tilespmem:$0x1D980] =	vst v63  }
0xa6: {  	s21 =	rddreg [dreg:$0xb]  }
0xa7: {  	[tilespmem:s28], [sflag:$0x8] =	stream.linear.gather [hbm4b:s21+s4], $0x50, $0x38;
	[tilespmem:$0x1D980] =	vst v63  }
0xa8: {  	_ =	swait.ge [sflag:s29], $0x2800  }
0xa9: {  	[sflag:s29] =	ssyncset.done $0x0  }
0xaa: {  	[sflag:s29] =	ssyncadd.s32 $0xFFFFD800  }
0xab: {  	_ =	swait.ge [sflag:s30], $0x50  }
0xac: {  	[sflag:s30] =	ssyncset.done $0x0  }
0xad: {  	[sflag:s30] =	ssyncadd.s32 $0xFFFFFFB0  }
0xae: {  	[spmem:s3] =	stream.indirect.scatter.add.f32 [tilespmem:s24], [sflag:$0x4], $0x80, s25, s23, $0xb8;
	[tilespmem:$0x1D980] =	vst v63  }
0xaf: {  	_ =	swait.ge [sflag:s13], $0x2800  }
0xb0: {  	[sflag:s13] =	ssyncset.done $0x0  }
0xb1: {  	[sflag:s13] =	ssyncadd.s32 $0xFFFFD800  }
0xb2: {  	_ =	swait.ge [sflag:s31], $0x2800  }
0xb3: {  	[sflag:s31] =	ssyncset.done $0x0  }
0xb4: {  	[sflag:s31] =	ssyncadd.s32 $0xFFFFD800  }
0xb5: {  	_ =	swait.ge [sflag:s7], $0x50  }
0xb6: {  	[sflag:s7] =	ssyncset.done $0x0  }
0xb7: {  	[sflag:s7] =	ssyncadd.s32 $0xFFFFFFB0  }
0xb8: {  	[spmem:s3] =	stream.indirect.scatter.add.f32 [tilespmem:s26], [sflag:$0x5], $0x80, s28, s23, $0xb8;
	[tilespmem:$0x1D980] =	vst v63  }
0xb9: {  	_ =	swait.ge [sflag:s8], $0x2800  }
0xba: {  	[sflag:s8] =	ssyncset.done $0x0  }
0xbb: {  	[sflag:s8] =	ssyncadd.s32 $0xFFFFD800  }
0xbc: {  	_ =	swait.ge [sflag:s12], $0x2800  }
0xbd: {  	[sflag:s12] =	ssyncset.done $0x0  }
0xbe: {  	[sflag:s12] =	ssyncadd.s32 $0xFFFFD800  }
0xbf: {  	[bflag:$0x0] =	sbarrier.arrive $0xFFFF  }
0xc0: {  	s9 =	rddreg [dreg:$0xd]  }
0xc1: {  	s6 =	simm.s32 @p0 $0x1FCA;
	s16 =	rddreg [dreg:$0x12]  }
0xc2: {  	[hbm:s9], [sflag:s6] =	dma.local @p0 [spmem:s16], $0x2080  }
0xc3: {  	s6 =	simm.s32 @p0 $0xA  }
0xc4: {  	_ =	swait.ge @p0 [sflag:s6], $0x2080  }
0xc5: {  	[sflag:s6] =	ssyncset.done @p0 $0x0  }
0xc6: {  	[sflag:s6] =	ssyncadd.s32 @p0 $0xFFFFDF80;
	s6 =	rddreg [dreg:$0xc]  }
0xc7: {  	[hbm:s6], [sflag:s22] =	dma.local @!p0 [spmem:s15], $0x2780  }
0xc8: {  	s6 =	simm.s32 @!p0 $0xA  }
0xc9: {  	_ =	swait.ge @!p0 [sflag:s6], $0x2780  }
0xca: {  	s17 =	smov.u32 s22;
	s14 =	sadd.s32 $0x1, s14;
	s22 =	rddreg [dreg:$0xe]  }
0xcb: {  	p1 =	sne.s32 s14, s22  }
.Ltmp1:
0xcc: {  	_ = 	snop;
	(pc) =	sbr.rel @p1 .LBB2_1-.Ltmp1, $3  }
0xcd: {  	_ =	sdelay $0x1  }
0xce: {  	[sflag:s6] =	ssyncset.done @!p0 $0x0  }
0xcf: {  	[sflag:s6] =	ssyncadd.s32 @!p0 $0xFFFFD880  }
0xd0: {  	_ =	sfence.sel $0x180000  }
0xd1: {  	[bflag:$0x0] =	sbarrier.arrive $0xFFFF  }
0xd2: {  	_ =	strace $0x9000004D  }
0xd3: {  	s0 =	stileid.u32;
	[bflag:$0x2] =	sbarrier.arrive $0xFFFF  }
0xd4: {  	p0 =	sne.s32 s0, $0x0;
	s0 =	rddreg [dreg:$0x3]  }
0xd5: {  	s0 =	sadd.s32 @!p0 $0x100000, s0  }
0xd6: {  	[sflag:s0] =	ssyncadd.tile.s32 @!p0 $0x1;
	_ =	shalt  }
.Lfunc_end2:
_tile_overlayer_lowered:
.L_overlay_start_2:
0xd7: {  	(tag) =	ssettag $0x2  }
0xd8: {  	s0 =	rddreg [dreg:$0x0];
	s2 =	stileid.u32  }
0xd9: {  	s1 =	rddreg [dreg:$0x1];
	p0 =	sne.s32 s2, $0x0  }
0xda: {  	s3 =	rddreg [dreg:$0x2];
	[bflag:$0x3] =	sbarrier.arrive $0xFFFF;
	s2 =	simm.s32 @!p0 $0x1C0A  }
0xdb: {  	[timem:s3], [sflag:s2] =	dma.local @!p0 [hbm:s0], s1  }
0xdc: {  	s0 =	simm.s32 @!p0 $0xA  }
0xdd: {  	_ =	swait.ge @!p0 [sflag:s0], s1  }
0xde: {  	s1 =	ssub.s32 @!p0 $0x0, s1;
	[sflag:s0] =	ssyncset.done @!p0 $0x0  }
0xdf: {  	[sflag:s0] =	ssyncadd.s32 @!p0 s1  }
0xe0: {  	[bflag:$0x3] =	sbarrier.arrive $0xFFFF  }
0xe1: {  	_ =	shalt  }

// kernel: kernel.8.cloned.1.call-start
scs
__scs_entry_jumppad:
0x0: {  	(pc) =	sbr.rel $0x88, $3  }
0x1: {  	(tag) =	ssettag $0x0;
	lr =	simm.s32 $0x1  }
0x2: {  	[smem:$0x3F99] =	sst lr;
	_ =	strace $0xD0000000  }
0x3: {  	_ = 	snop  }
0x4: {  	_ = 	snop  }
0x5: {  	_ = 	snop  }
0x6: {  	_ = 	snop  }
0x7: {  	_ = 	snop  }
__scs_overlays_trampoline_lowered:
0x8: {  	[smem:$0x3FA8] =	sst s0  }
0x9: {  	[smem:$0x3FA9] =	sst s1  }
0xa: {  	[smem:$0x3FAA] =	sst s2  }
0xb: {  	[smem:$0x3FAB] =	sst s3  }
0xc: {  	[smem:$0x3FAC] =	sst s4  }
0xd: {  	[smem:$0x3FAD] =	sst s5  }
0xe: {  	[smem:$0x3FAE] =	sst s6  }
0xf: {  	[smem:$0x3FAF] =	sst s7  }
0x10: {  	[smem:$0x3FB0] =	sst s8  }
0x11: {  	[smem:$0x3FB1] =	sst s9;
	s0 =	simm.s32 @!p0 $0x0  }
0x12: {  	s1 =	sld [smem:$0x3F97];
	s0 =	simm.s32 @p0 $0x1  }
0x13: {  	[smem:$0x3FB2] =	sst s0;
	s0 =	simm.s32 @!p1 $0x0  }
0x14: {  	s2 =	sld [smem:$0x3F96];
	s0 =	simm.s32 @p1 $0x1  }
0x15: {  	[smem:$0x3FB3] =	sst s0;
	s0 =	simm.s32 @!p2 $0x0  }
0x16: {  	s3 =	sld [smem:$0x3FDB];
	s0 =	simm.s32 @p2 $0x1  }
0x17: {  	s4 =	simm.s32 $0x1BF5;
	[smem:$0x3FB5] =	sst s0  }
0x18: {  	s0 =	sld [smem:$0x3F98];
	_ =	swait.ge [sflag:s4], $0x0  }
0x19: {  	s7 =	sld [smem:$0x3F99]  }
0x1a: {  	s8 =	sadd.s32 $0xFFFFE003, lr  }
0x1b: {  	s9 =	sadd.s32 $0xFFFFFEF7, lr;
	s5 =	simm.s32 $0xFFFFFFFF;
	p2 =	slt.u32 s8, $0xFFFFF086  }
0x1c: {  	p1 =	slt.u32 s9, $0xF7A;
	s5 =	simm.s32 @!p2 $0x0  }
0x1d: {  	s5 =	simm.s32 @p1 $0x1;
	p0 =	seq.s32 s7, s2  }
0x1e: {  	s7 =	smul.u32 @!p0 $0xF7A, s2;
	p2 =	seq.s32 @!p0 s5, $0x0  }
0x1f: {  	s9 =	smul.u32 $0xF7A, s1;
	s8 =	simm.s32 @!p0 $0x1BF5;
	p2 =	por !p2, p0  }
0x20: {  	[sflag:s8] =	ssyncset.s32 @!p0 $0xFFFFF086;
	s6 =	sadd.s32 @!p0 s3, s7;
	s7 =	simm.s32 @!p0 $0x108  }
0x21: {  	s3 =	sadd.s32 s3, s9;
	s6 =	sadd.s32 @!p0 $0x88, s6;
	s7 =	simm.s32 @p2 $0x1082  }
0x22: {  	[simem:s7], [sflag:s8] =	dma.local @!p0 [hbm:s6], $0xF7A  }
0x23: {  	s9 =	sor.u32 $0xD0000000, s2;
	s6 =	simm.s32 $0x108;
	_ =	swait.ge @!p0 [sflag:s8], $0x0  }
0x24: {  	s3 =	sadd.s32 $0x88, s3;
	s6 =	simm.s32 @!p1 $0x1082;
	[sflag:s4] =	ssyncset.s32 $0xFFFFF086  }
0x25: {  	[simem:s6], [sflag:s4] =	dma.local [hbm:s3], $0xF7A  }
0x26: {  	[smem:$0x3F99] =	sst s1;
	(tag) =	ssettag s2;
	_ =	strace s9  }
0x27: {  	s1 =	sld [smem:$0x3FA9]  }
0x28: {  	s2 =	sld [smem:$0x3FAA]  }
0x29: {  	s4 =	sld [smem:$0x3FAC]  }
0x2a: {  	p0 =	seq.s32 s5, $0x0;
	s5 =	sld [smem:$0x3FAD]  }
0x2b: {  	s6 =	sld [smem:$0x3FAE]  }
0x2c: {  	s7 =	sld [smem:$0x3FAF]  }
0x2d: {  	s3 =	simm.s32 $0x108;
	s8 =	sld [smem:$0x3FB0]  }
0x2e: {  	s3 =	simm.s32 @!p0 $0x1082;
	s9 =	sld [smem:$0x3FB1]  }
0x2f: {  	lr =	sadd.s32 s0, s3;
	s0 =	sld [smem:$0x3FA8]  }
0x30: {  	s3 =	sld [smem:$0x3FAB]  }
0x31: {  	[smem:$0x3FB4] =	sst s10  }
0x32: {  	s10 =	sld [smem:$0x3FB2];
	_ =	sdelay $0x3  }
0x33: {  	p0 =	seq.s32 s10, $0x1;
	s10 =	sld [smem:$0x3FB4];
	_ =	sdelay $0x3  }
0x34: {  	[smem:$0x3FB4] =	sst s10  }
0x35: {  	s10 =	sld [smem:$0x3FB3];
	_ =	sdelay $0x3  }
0x36: {  	p1 =	seq.s32 s10, $0x1;
	s10 =	sld [smem:$0x3FB4];
	_ =	sdelay $0x3  }
0x37: {  	[smem:$0x3FB4] =	sst s10  }
0x38: {  	s10 =	sld [smem:$0x3FB5]  }
0x39: {  	_ = 	snop;
	(pc) =	sbr.ind lr, $3  }
0x3a: {  	_ = 	snop  }
0x3b: {  	_ = 	snop  }
0x3c: {  	p2 =	seq.s32 s10, $0x1;
	s10 =	sld [smem:$0x3FB4]  }
0x3d: {  	_ =	shalt  }
0x3e: {  	_ =	shalt  }
0x3f: {  	_ =	shalt  }
0x40: {  	_ =	shalt  }
0x41: {  	_ =	shalt  }
0x42: {  	_ =	shalt  }
0x43: {  	_ =	shalt  }
0x44: {  	_ =	shalt  }
0x45: {  	_ =	shalt  }
0x46: {  	_ =	shalt  }
0x47: {  	_ =	shalt  }
0x48: {  	_ =	shalt  }
0x49: {  	_ =	shalt  }
0x4a: {  	_ =	shalt  }
0x4b: {  	_ =	shalt  }
0x4c: {  	_ =	shalt  }
0x4d: {  	_ =	shalt  }
0x4e: {  	_ =	shalt  }
0x4f: {  	_ =	shalt  }
0x50: {  	_ =	shalt  }
0x51: {  	_ =	shalt  }
0x52: {  	_ =	shalt  }
0x53: {  	_ =	shalt  }
0x54: {  	_ =	shalt  }
0x55: {  	_ =	shalt  }
0x56: {  	_ =	shalt  }
0x57: {  	_ =	shalt  }
0x58: {  	_ =	shalt  }
0x59: {  	_ =	shalt  }
0x5a: {  	_ =	shalt  }
0x5b: {  	_ =	shalt  }
0x5c: {  	_ =	shalt  }
0x5d: {  	_ =	shalt  }
0x5e: {  	_ =	shalt  }
0x5f: {  	_ =	shalt  }
0x60: {  	_ =	shalt  }
0x61: {  	_ =	shalt  }
0x62: {  	_ =	shalt  }
0x63: {  	_ =	shalt  }
0x64: {  	_ =	shalt  }
0x65: {  	_ =	shalt  }
0x66: {  	_ =	shalt  }
0x67: {  	_ =	shalt  }
0x68: {  	_ =	shalt  }
0x69: {  	_ =	shalt  }
0x6a: {  	_ =	shalt  }
0x6b: {  	_ =	shalt  }
0x6c: {  	_ =	shalt  }
0x6d: {  	_ =	shalt  }
0x6e: {  	_ =	shalt  }
0x6f: {  	_ =	shalt  }
0x70: {  	_ =	shalt  }
0x71: {  	_ =	shalt  }
0x72: {  	_ =	shalt  }
0x73: {  	_ =	shalt  }
0x74: {  	_ =	shalt  }
0x75: {  	_ =	shalt  }
0x76: {  	_ =	shalt  }
0x77: {  	_ =	shalt  }
0x78: {  	_ =	shalt  }
0x79: {  	_ =	shalt  }
0x7a: {  	_ =	shalt  }
0x7b: {  	_ =	shalt  }
0x7c: {  	_ =	shalt  }
0x7d: {  	_ =	shalt  }
0x7e: {  	_ =	shalt  }
0x7f: {  	_ =	shalt  }
0x80: {  	_ =	shalt  }
0x81: {  	_ =	shalt  }
0x82: {  	_ =	shalt  }
0x83: {  	_ =	shalt  }
0x84: {  	_ =	shalt  }
0x85: {  	_ =	shalt  }
0x86: {  	_ =	shalt  }
0x87: {  	_ =	shalt  }
.Lfunc_end0:
.L_simem_size_0:
called_computation_lowered:
.L_overlay_start_0:
0x88: {  	s2 =	sld [smem:$0x3FD9]  }
0x89: {  	s3 =	sld [smem:$0x3FFE];
	_ =	sdelay $0x1  }
0x8a: {  	s1 =	srdreg.scid  }
0x8b: {  	s0 =	sand.u32 $0x1, s1  }
0x8c: {  	s17 =	sshll.u32 s0, $0xA;
	s2 =	sadd.s32 s3, s2  }
0x8d: {  	s2 =	sadd.s32 s2, s17  }
0x8e: {  	[smem:$0x3FC0] =	sst s2  }
0x8f: {  	_ = 	snop  }
0x90: {  	s2 =	sld [smem:$0x3FD0];
	(tm) =	ssettm $0x1  }
0x91: {  	s18 =	sld [smem:$0x3FFB];
	_ =	sdelay $0x3  }
0x92: {  	_ =	strace s18  }
0x93: {  	s3 =	sld [smem:$0x3FFC];
	_ =	sdelay $0x3  }
0x94: {  	_ =	strace s3  }
0x95: {  	s3 =	sld [smem:$0x3FFD];
	_ =	sdelay $0x3  }
0x96: {  	_ =	strace s3  }
0x97: {  	_ =	strace $0x8FFFFFFF  }
0x98: {  	s19 =	sld [smem:$0x3FDB];
	_ =	sdelay $0x1  }
0x99: {  	s4 =	simm.s32 $_scs_section_size  }
0x9a: {  	s5 =	simm.s32 $_size__tile_overlayer_lowered;
	s6 =	simm.s32 $_tile_overlayer_lowered  }
0x9b: {  	s22 =	simm.s32 $0x1BFF;
	s21 =	sshll.u32 s6, $0x1;
	s3 =	sadd.s32 s4, s19  }
0x9c: {  	s7 =	simm.s32 $0x0;
	s20 =	sshll.u32 s5, $0x1;
	s5 =	sadd.s32 s21, s3  }
0x9d: {  	[timem:s7], [sflag:s22] =	dma.local [hbm:s5], s20  }
0x9e: {  	_ =	swait.ge [sflag:s22], s20  }
0x9f: {  	s4 =	ssub.s32 $0x0, s20;
	[sflag:s22] =	ssyncset.done $0x0  }
0xa0: {  	[sflag:s22] =	ssyncadd.s32 s4;
	_ =	sdelay $0x1  }
0xa1: {  	s23 =	simm.s32 $0x1B8B  }
0xa2: {  	_ =	swait.ge [sflag:s23], $0x1  }
0xa3: {  	[sflag:s23] =	ssyncset.done $0x0  }
0xa4: {  	s25 =	simm.s32 $0x1B8E;
	s24 =	sld [smem:$0x3FFE];
	[sflag:s23] =	ssyncadd.s32 $0xFFFFFFFF  }
0xa5: {  	s26 =	simm.s32 $execute0_lowered;
	[smem:$0x3FD2] =	sst s25  }
0xa6: {  	s5 =	sshll.u32 s26, $0x1;
	_ =	strace $0x80000046;
	[dreg:$0x1] =	wrdreg $0xFFFFFFFF  }
0xa7: {  	s28 =	simm.s32 $_size_execute0_lowered;
	s3 =	sadd.s32 s3, s5;
	[dreg:$0x0] =	wrdreg $0x0  }
0xa8: {  	s5 =	sshll.u32 s28, $0x1;
	[dreg:$0x2] =	wrdreg s3  }
0xa9: {  	[dreg:$0x3] =	wrdreg s5  }
0xaa: {  	[dreg:$0x4] =	wrdreg $0xC0  }
0xab: {  	_ =	task [dreg:s7], $0x5FFFF  }
0xac: {  	[dreg:$0x1] =	wrdreg $0xFFFFFFFF  }
0xad: {  	[dreg:$0x0] =	wrdreg $0x60  }
0xae: {  	[dreg:$0x2] =	wrdreg s24  }
0xaf: {  	[dreg:$0x3] =	wrdreg s2  }
0xb0: {  	[dreg:$0x4] =	wrdreg $0x9  }
0xb1: {  	_ =	task.clear_ibuf [dreg:s7], $0x5FFFF;
	_ =	strace $0x90000046  }
0xb2: {  	s29 =	simm.s32 $0x9;
	_ =	strace $0x80000048  }
0xb3: {  	_ =	swait.ge [sflag:s29], $0x1  }
0xb4: {  	[sflag:s29] =	ssyncadd.s32 $0xFFFFFFFF  }
0xb5: {  	_ =	strace $0x90000048  }
0xb6: {  	_ =	sfence  }
0xb7: {  	s30 =	sld [smem:$0x0];
	_ =	sdelay $0x2  }
0xb8: {  	s31 =	sshll.u32 s1, $0xD;
	s1 =	sshrl.u32 s1, $0x2  }
0xb9: {  	s3 =	sand.u32 $0x4000, s31;
	s1 =	sadd.s32 s1, s30  }
0xba: {  	s0 =	sor.u32 s3, s0;
	s1 =	sshll.u32 s1, $0x11  }
0xbb: {  	s0 =	sor.u32 s1, s0  }
0xbc: {  	s0 =	sadd.s32 $0x8F2B, s0  }
0xbd: {  	[sflag:s0] =	ssyncadd.remote.s32 $0x1  }
0xbe: {  	_ =	sfence.sel $0xFFFF  }
0xbf: {  	[dreg:$0x0] =	wrdreg $0xFFFFFFFF;
	(pc) =	sbr.abs _section_cstart, $3  }
0xc0: {  	[dreg:$0x1] =	wrdreg $0xFFFFFFFF  }
0xc1: {  	_ =	task.clear_ibuf [dreg:s7], $0x2FFFF;
	_ =	strace $0x9FFFFFFF  }
0xc2: {  	(tm) =	ssettm $0x7FFFFFFF  }
0xc3: {  	_ =	shalt  }
tec
execute0_lowered:
.L_overlay_start_1:
0x0: {  	(tag) =	ssettag $0x1  }
0x1: {  	s0 =	srdreg.scid  }
0x2: {  	s4 =	rddreg [dreg:$0x0];
	s3 =	sand.u32 $0x1, s0  }
0x3: {  	s5 =	rddreg [dreg:$0x1];
	s0 =	stileid.u32;
	s1 =	sshll.u32 s3, $0x4  }
0x4: {  	s2 =	simm.s32 $0x0;
	s9 =	simm.s32 $0x400;
	s6 =	sor.u32 s0, s1  }
0x5: {  	s10 =	simm.s32 $0x0;
	[smem:$0x7FF] =	sst s2;
	s7 =	sshrl.u32 s6, $0x3  }
0x6: {  	s8 =	sshll.u32 s0, $0x7;
	s3 =	ssub.s32 $0x2, s3;
	s7 =	smul.u32 $0x14000, s7  }
0x7: {  	s1 =	rddreg [dreg:$0x2];
	s8 =	sand.u32 $0x380, s8;
	s6 =	smul.u32 $0x4E2, s6  }
0x8: {  	_ =	strace $0x80000047;
	s31 =	sshrl.u32 s3, $0x1;
	s7 =	sor.u32 s8, s7  }
0x9: {  	s4 =	sadd.s32 s6, s4;
	s6 =	ssub.s32 s3, s31;
	s7 =	sshrl.u32 s7, $0x3  }
0xa: {  	s3 =	sadd.s32 $0xCA00, s4;
	s8 =	simm.s32 $0x80;
	s4 =	sadd.s32 s5, s7  }
0xb: {  	v0 =	vimm.f32 $0.0e+00;
	v1 =	vimm.f32 $1.000000000e+00;
	s5 =	smax.u32 s6, $0x1;
	s6 =	simm.s32 $0x1;
	s7 =	simm.s32 $0x2780  }
.LBB2_1:
0xc: {  	[tilespmem:s2], [sflag:$0x1] =	stream.linear.gather [hbm4b:s3+s2], $0x2710, $0x38;
	[tilespmem:$0x4F80] =	vst v63  }
0xd: {  	_ =	swait.ge [sflag:s6], $0x2710  }
0xe: {  	[sflag:s6] =	ssyncset.done $0x0  }
0xf: {  	s11 =	simm.s32 $0x0;
	[sflag:s6] =	ssyncadd.s32 $0xFFFFD8F0  }
.LBB2_2:
0x10: {  	p0 =	sne.s32 s11, $0x9FC0  }
.Ltmp0:
0x11: {  	_ = 	snop;
	(pc) =	sbr.rel @p0 .LBB2_2-.Ltmp0, $3  }
0x12: {  	_ =	sdelay $0x1  }
0x13: {  	s12 =	sshra.s32 s11, $0x2  }
0x14: {  	s11 =	sadd.s32 $0x40, s11;
	[tilespmem:s12+$0x2780] =	vst v0  }
0x15: {  	s12 =	simm.s32 $0x0;
	s11 =	simm.s32 $0x40  }
.LBB2_4:
0x16: {  	p0 =	sne.s32 s11, $0x9C00;
	v2 =	vld [tilespmem:s12+$0x0];
	_ =	sdelay $0x3  }
.Ltmp1:
0x17: {  	(pc) =	sbr.rel @p0 .LBB2_4-.Ltmp1, $2  }
0x18: {  	_ =	sdelay $0x2  }
0x19: {  	s12 =	sshra.s32 s11, $0x2;
	s11 =	sadd.s32 $0x40, s11;
	[tilespmem:v2+s7+$0x0] =	vst.idx.add.f32.msk $0xffff, v1  }
0x1a: {  	v2 =	vld [tilespmem:s12+$0x0];
	_ =	sdelay $0x5  }
0x1b: {  	s10 =	sadd.s32 $0x1, s10  }
0x1c: {  	p0 =	sne.s32 s10, s5  }
.Ltmp2:
0x1d: {  	[tilespmem:v2+s7+$0x0] =	vst.idx.add.f32.msk $0xffff, v1;
	(pc) =	sbr.rel @p0 .LBB2_1-.Ltmp2, $4  }
0x1e: {  	[hbm4b:s4+s8] =	stream.strided.scatter [tilespmem:s7], [sflag:$0x1], $0x2800, s9, s8, $0x38;
	[tilespmem:$0x4F80] =	vst v63  }
0x1f: {  	_ =	swait.ge [sflag:s6], $0x2800  }
0x20: {  	[sflag:s6] =	ssyncset.done $0x0  }
0x21: {  	[sflag:s6] =	ssyncadd.s32 $0xFFFFD800  }
0x22: {  	_ =	sfence.sel $0x180000  }
0x23: {  	[bflag:$0x0] =	sbarrier.arrive $0xFFFF  }
0x24: {  	p0 =	sne.s32 s0, $0x0;
	_ =	strace $0x90000047  }
0x25: {  	s0 =	sadd.s32 @!p0 $0x100000, s1;
	[bflag:$0x2] =	sbarrier.arrive $0xFFFF  }
0x26: {  	[sflag:s0] =	ssyncadd.tile.s32 @!p0 $0x1;
	_ =	shalt  }
.Lfunc_end2:
_tile_overlayer_lowered:
.L_overlay_start_2:
0x27: {  	(tag) =	ssettag $0x2  }
0x28: {  	s0 =	rddreg [dreg:$0x0];
	s2 =	stileid.u32  }
0x29: {  	s1 =	rddreg [dreg:$0x1];
	p0 =	sne.s32 s2, $0x0  }
0x2a: {  	s3 =	rddreg [dreg:$0x2];
	[bflag:$0x3] =	sbarrier.arrive $0xFFFF;
	s2 =	simm.s32 @!p0 $0x1C01  }
0x2b: {  	[timem:s3], [sflag:s2] =	dma.local @!p0 [hbm:s0], s1  }
0x2c: {  	s0 =	simm.s32 @!p0 $0x1  }
0x2d: {  	_ =	swait.ge @!p0 [sflag:s0], s1  }
0x2e: {  	s1 =	ssub.s32 @!p0 $0x0, s1;
	[sflag:s0] =	ssyncset.done @!p0 $0x0  }
0x2f: {  	[sflag:s0] =	ssyncadd.s32 @!p0 s1  }
0x30: {  	[bflag:$0x3] =	sbarrier.arrive $0xFFFF  }
0x31: {  	_ =	shalt  }

</sc_bundles>
